<compile_context>
chip_gen: v7x
topology: tpu7x:2x2x1
jax: 0.10.2.dev20260603
libtpu: 0.0.44.dev20260713+nightly
codegen_flags: <defaults>
</compile_context>

<pallas_src>
import functools

import jax
import jax.numpy as jnp
from jax import lax
from jax.experimental import pallas as pl
from jax.experimental.pallas import tpu as pltpu
from jax.experimental.pallas import tpu_sc as plsc

X_LEN = 33554432
I32_MAX = 2147483647

NC = 2
NS = 16
L = 16
NW = NC * NS
S_SC = 19922944
PER_W = S_SC // NW
CHUNK = 8192
NCHUNK = PER_W // CHUNK
NBUF = 4
U = 8
K = CHUNK // (L * U)

S_TC = X_LEN - S_SC
ROWS = X_LEN // 128
ROW0 = S_SC // 128
BM = 4096
GRID = S_TC // 128 // BM
UT = 8
TK = BM // (8 * UT)


def _sc_body(x_hbm, vals_hbm, idxs_hbm,
             buf0, buf1, buf2, buf3, vrow, irow,
             sem0, sem1, sem2, sem3):
    wid = lax.axis_index("s") * NC + lax.axis_index("c")
    base = wid * PER_W
    lane = lax.broadcasted_iota(jnp.int32, (L,), 0)
    bufs = (buf0, buf1, buf2, buf3)
    sems = (sem0, sem1, sem2, sem3)

    for b in range(NBUF):
        pltpu.async_copy(
            x_hbm.at[pl.ds(base + b * CHUNK, CHUNK)], bufs[b], sems[b])

    def make_inner(buf, ck):
        def inner(j, ic):
            bas, bcodes = ic
            codev = jnp.full((L,), ck + j, jnp.int32)
            nbas = []
            ncodes = []
            for u in range(U):
                v = buf[pl.ds(j * (L * U) + u * L, L)]
                a = jnp.abs(v)
                pred = a < bas[u]
                nbas.append(jnp.minimum(a, bas[u]))
                ncodes.append(jnp.where(pred, codev, bcodes[u]))
            return tuple(nbas), tuple(ncodes)
        return inner

    ngroup = NCHUNK // NBUF

    def group_step(g, carry):
        bas, bcodes = carry
        for b in range(NBUF):
            c = NBUF * g + b
            pltpu.make_async_copy(
                x_hbm.at[pl.ds(base, CHUNK)], bufs[b], sems[b]).wait()
            bas, bcodes = lax.fori_loop(
                0, K, make_inner(bufs[b], c * K), (bas, bcodes))

            @pl.when(g < ngroup - 1)
            def _():
                off_next = base + (c + NBUF) * CHUNK
                pltpu.async_copy(
                    x_hbm.at[pl.ds(off_next, CHUNK)], bufs[b], sems[b])
        return bas, bcodes

    init_a = tuple(jnp.full((L,), jnp.inf, jnp.float32) for _ in range(U))
    init_c = tuple(jnp.zeros((L,), jnp.int32) for _ in range(U))
    bas, bcodes = lax.fori_loop(0, ngroup, group_step, (init_a, init_c))

    best_a = bas[0]
    best_p = base + bcodes[0] * (L * U) + lane
    for u in range(1, U):
        p_u = base + bcodes[u] * (L * U) + (u * L) + lane
        pred = (bas[u] < best_a) | ((bas[u] == best_a) & (p_u < best_p))
        best_a = jnp.where(pred, bas[u], best_a)
        best_p = jnp.where(pred, p_u, best_p)

    vrow[...] = best_a
    irow[...] = best_p
    pltpu.sync_copy(vrow, vals_hbm.at[wid])
    pltpu.sync_copy(irow, idxs_hbm.at[wid])


def _tc_body(x_ref, val_ref, idx_ref, *state):
    i = pl.program_id(0)
    sv = state[:UT]
    scd = state[UT:]

    @pl.when(i == 0)
    def _():
        for u in range(UT):
            sv[u][...] = jnp.full((8, 128), jnp.inf, jnp.float32)
            scd[u][...] = jnp.zeros((8, 128), jnp.int32)

    def inner(j, carry):
        bvs, bcs = carry
        codev = jnp.full((8, 128), i * TK + j, jnp.int32)
        nv, nc = [], []
        for u in range(UT):
            v = x_ref[pl.ds((j * UT + u) * 8, 8), :]
            a = jnp.abs(v)
            pred = a < bvs[u]
            nv.append(jnp.minimum(a, bvs[u]))
            nc.append(jnp.where(pred, codev, bcs[u]))
        return tuple(nv), tuple(nc)

    bvs, bcs = lax.fori_loop(
        0, TK, inner,
        (tuple(sv[u][...] for u in range(UT)),
         tuple(scd[u][...] for u in range(UT))))
    for u in range(UT):
        sv[u][...] = bvs[u]
        scd[u][...] = bcs[u]

    @pl.when(i == GRID - 1)
    def _():
        sub = lax.broadcasted_iota(jnp.int32, (8, 128), 0)
        col = lax.broadcasted_iota(jnp.int32, (8, 128), 1)
        best_v = bvs[0]
        best_p = S_SC + ((bcs[0] * UT + 0) * 8 + sub) * 128 + col
        for u in range(1, UT):
            p_u = S_SC + ((bcs[u] * UT + u) * 8 + sub) * 128 + col
            pred = (bvs[u] < best_v) | ((bvs[u] == best_v) & (p_u < best_p))
            best_v = jnp.where(pred, bvs[u], best_v)
            best_p = jnp.where(pred, p_u, best_p)
        vm = jnp.where((col & 1) == 0, best_v, jnp.inf)
        m = jnp.min(vm)
        sel = jnp.where(vm == m, best_p, I32_MAX)
        pbest = jnp.min(sel)
        val_ref[...] = jnp.reshape(m, (1, 1))
        idx_ref[...] = jnp.reshape(pbest, (1, 1))


def _merge_body(vals_ref, idxs_ref, tval_ref, tidx_ref, out_ref):
    v = vals_ref[...]
    p = idxs_ref[...]
    tv = tval_ref[0, 0]
    tp = tidx_ref[0, 0]
    col = lax.broadcasted_iota(jnp.int32, (NW, L), 1)
    even = (col & 1) == 0
    vm = jnp.where(even, v, jnp.inf)
    m = jnp.minimum(jnp.min(vm), tv)
    sel = jnp.where(vm == m, p, I32_MAX)
    p_sc = jnp.min(sel)
    p_tc = jnp.where(tv == m, tp, I32_MAX)
    p_best = jnp.minimum(p_sc, p_tc)
    out_ref[...] = jnp.reshape((p_best >> 1) + 1, (1, 1))


@jax.jit
def kernel(x):
    mesh = plsc.VectorSubcoreMesh(core_axis_name="c", subcore_axis_name="s")
    sc = functools.partial(
        pl.kernel,
        mesh=mesh,
        out_type=[
            jax.ShapeDtypeStruct((NW, L), jnp.float32),
            jax.ShapeDtypeStruct((NW, L), jnp.int32),
        ],
        scratch_types=[
            pltpu.VMEM((CHUNK,), jnp.float32),
            pltpu.VMEM((CHUNK,), jnp.float32),
            pltpu.VMEM((CHUNK,), jnp.float32),
            pltpu.VMEM((CHUNK,), jnp.float32),
            pltpu.VMEM((L,), jnp.float32),
            pltpu.VMEM((L,), jnp.int32),
            pltpu.SemaphoreType.DMA,
            pltpu.SemaphoreType.DMA,
            pltpu.SemaphoreType.DMA,
            pltpu.SemaphoreType.DMA,
        ],
    )(_sc_body)

    x2 = x.reshape(ROWS, 128)
    tval, tidx = pl.pallas_call(
        _tc_body,
        grid=(GRID,),
        in_specs=[pl.BlockSpec((BM, 128), lambda i: (ROW0 // BM + i, 0))],
        out_specs=[
            pl.BlockSpec((1, 1), lambda i: (0, 0)),
            pl.BlockSpec((1, 1), lambda i: (0, 0)),
        ],
        out_shape=[
            jax.ShapeDtypeStruct((1, 1), jnp.float32),
            jax.ShapeDtypeStruct((1, 1), jnp.int32),
        ],
        scratch_shapes=(
            [pltpu.VMEM((8, 128), jnp.float32) for _ in range(UT)]
            + [pltpu.VMEM((8, 128), jnp.int32) for _ in range(UT)]
        ),
    )(x2)
    vals, idxs = sc(x)

    out = pl.pallas_call(
        _merge_body,
        out_shape=jax.ShapeDtypeStruct((1, 1), jnp.int32),
    )(vals, idxs, tval, tidx)
    return out[0, 0]

# --- scband reference (transcript-rebuilt; emitter-appended) ---
"""Pipeline reference for scband-model-60713657696890 (READ-ONLY COPY).

The authoritative reference and input builder live on the scoring server;
editing this copy changes nothing except your own understanding.
"""

import jax, jax.numpy as jnp
import numpy as np

N = 16777216
INCX = 2
X_LEN = 33554432


def setup_inputs(seed: int = 0) -> dict:
    key = jax.random.key(seed)
    x = jax.random.normal(key, (X_LEN,), dtype=jnp.float32)
    return {"x": x}


def reference(x):
    if INCX == 1:
        sliced_x = x[:N]
    else:
        # mirror torch.arange(0.0, n*incx, incx).long()
        end_val = float(N) * float(INCX)
        step_val = float(INCX)
        indices = jnp.arange(0.0, end_val, step_val, dtype=jnp.float32).astype(jnp.int32)
        sliced_x = jnp.take(x, indices, axis=0)
    abs_x = jnp.abs(sliced_x)
    argmin_idx = jnp.argmin(abs_x)
    golden = argmin_idx + 1
    return golden.astype(jnp.int32)

if __name__ == "__main__":
    import jax
    _d = setup_inputs()
    print(jax.jit(kernel)(*tuple(_d.values())))

</pallas_src>

<mosaic_0001>
#map = affine_map<(d0, d1) -> (0)>
#map1 = affine_map<(d0, d1) -> (0, 0)>
module attributes {stable_mosaic.version = 14 : i64} {
  func.func @_sc_body(%arg0: i32, %arg1: i32, %arg2: memref<33554432xf32, #tpu.memory_space<hbm>>, %arg3: memref<32x16xf32, #tpu.memory_space<hbm>>, %arg4: memref<32x16xi32, #tpu.memory_space<hbm>>, %arg5: memref<8192xf32, #tpu.memory_space<vmem>>, %arg6: memref<8192xf32, #tpu.memory_space<vmem>>, %arg7: memref<8192xf32, #tpu.memory_space<vmem>>, %arg8: memref<8192xf32, #tpu.memory_space<vmem>>, %arg9: memref<16xf32, #tpu.memory_space<vmem>>, %arg10: memref<16xi32, #tpu.memory_space<vmem>>, %arg11: memref<!tpu.dma_semaphore, #tpu.memory_space<semaphore_mem>>, %arg12: memref<!tpu.dma_semaphore, #tpu.memory_space<semaphore_mem>>, %arg13: memref<!tpu.dma_semaphore, #tpu.memory_space<semaphore_mem>>, %arg14: memref<!tpu.dma_semaphore, #tpu.memory_space<semaphore_mem>>) attributes {dimension_semantics = [#tpu.dimension_semantics<core_parallel>, #tpu.dimension_semantics<subcore_parallel>], iteration_bounds = array<i64: 2, 16>, scalar_prefetch = 0 : i64, scratch_operands = 10 : i64, tpu.core_type = #tpu.core_type<sc_vector_subcore>, window_params = [{transform_indices = #map}, {transform_indices = #map1}, {transform_indices = #map1}]} {
    %mul3A = arith.constant 2 : i32
    %mul3A_0 = arith.muli %arg1, %mul3A : i32
    %add3A = arith.addi %mul3A_0, %arg0 : i32
    %mul3A_1 = arith.constant 622592 : i32
    %mul3A_2 = arith.muli %add3A, %mul3A_1 : i32
    %iota3A = tpu.iota {dimensions = array<i32: 0>} : vector<16xi32>
    %add3A_3 = arith.constant 0 : i32
    %add3A_4 = arith.addi %mul3A_2, %add3A_3 : i32
    %dma_start3A = tpu.memref_slice %arg2[%add3A_4] : memref<33554432xf32, #tpu.memory_space<hbm>> -> memref<8192xf32, #tpu.memory_space<hbm>>
    %dma_start3A_5 = tpu.memref_slice %arg2[%add3A_4] : memref<33554432xf32, #tpu.memory_space<hbm>> -> memref<8192xf32, #tpu.memory_space<hbm>>
    tpu.enqueue_dma source(%dma_start3A_5 : memref<8192xf32, #tpu.memory_space<hbm>>) target(%arg5 : memref<8192xf32, #tpu.memory_space<vmem>>) target_semaphore(%arg11 : memref<!tpu.dma_semaphore, #tpu.memory_space<semaphore_mem>>)
    %add3A_6 = arith.constant 8192 : i32
    %add3A_7 = arith.addi %mul3A_2, %add3A_6 : i32
    %dma_start3A_8 = tpu.memref_slice %arg2[%add3A_7] : memref<33554432xf32, #tpu.memory_space<hbm>> -> memref<8192xf32, #tpu.memory_space<hbm>>
    %dma_start3A_9 = tpu.memref_slice %arg2[%add3A_7] : memref<33554432xf32, #tpu.memory_space<hbm>> -> memref<8192xf32, #tpu.memory_space<hbm>>
    tpu.enqueue_dma source(%dma_start3A_9 : memref<8192xf32, #tpu.memory_space<hbm>>) target(%arg6 : memref<8192xf32, #tpu.memory_space<vmem>>) target_semaphore(%arg12 : memref<!tpu.dma_semaphore, #tpu.memory_space<semaphore_mem>>)
    %add3A_10 = arith.constant 16384 : i32
    %add3A_11 = arith.addi %mul3A_2, %add3A_10 : i32
    %dma_start3A_12 = tpu.memref_slice %arg2[%add3A_11] : memref<33554432xf32, #tpu.memory_space<hbm>> -> memref<8192xf32, #tpu.memory_space<hbm>>
    %dma_start3A_13 = tpu.memref_slice %arg2[%add3A_11] : memref<33554432xf32, #tpu.memory_space<hbm>> -> memref<8192xf32, #tpu.memory_space<hbm>>
    tpu.enqueue_dma source(%dma_start3A_13 : memref<8192xf32, #tpu.memory_space<hbm>>) target(%arg7 : memref<8192xf32, #tpu.memory_space<vmem>>) target_semaphore(%arg13 : memref<!tpu.dma_semaphore, #tpu.memory_space<semaphore_mem>>)
    %add3A_14 = arith.constant 24576 : i32
    %add3A_15 = arith.addi %mul3A_2, %add3A_14 : i32
    %dma_start3A_16 = tpu.memref_slice %arg2[%add3A_15] : memref<33554432xf32, #tpu.memory_space<hbm>> -> memref<8192xf32, #tpu.memory_space<hbm>>
    %dma_start3A_17 = tpu.memref_slice %arg2[%add3A_15] : memref<33554432xf32, #tpu.memory_space<hbm>> -> memref<8192xf32, #tpu.memory_space<hbm>>
    tpu.enqueue_dma source(%dma_start3A_17 : memref<8192xf32, #tpu.memory_space<hbm>>) target(%arg8 : memref<8192xf32, #tpu.memory_space<vmem>>) target_semaphore(%arg14 : memref<!tpu.dma_semaphore, #tpu.memory_space<semaphore_mem>>)
    %broadcast_in_dim3A = arith.constant 0x7F800000 : f32
    %broadcast_in_dim3A_18 = vector.broadcast %broadcast_in_dim3A : f32 to vector<16xf32>
    %broadcast_in_dim3A_19 = arith.constant 0x7F800000 : f32
    %broadcast_in_dim3A_20 = vector.broadcast %broadcast_in_dim3A_19 : f32 to vector<16xf32>
    %broadcast_in_dim3A_21 = arith.constant 0x7F800000 : f32
    %broadcast_in_dim3A_22 = vector.broadcast %broadcast_in_dim3A_21 : f32 to vector<16xf32>
    %broadcast_in_dim3A_23 = arith.constant 0x7F800000 : f32
    %broadcast_in_dim3A_24 = vector.broadcast %broadcast_in_dim3A_23 : f32 to vector<16xf32>
    %broadcast_in_dim3A_25 = arith.constant 0x7F800000 : f32
    %broadcast_in_dim3A_26 = vector.broadcast %broadcast_in_dim3A_25 : f32 to vector<16xf32>
    %broadcast_in_dim3A_27 = arith.constant 0x7F800000 : f32
    %broadcast_in_dim3A_28 = vector.broadcast %broadcast_in_dim3A_27 : f32 to vector<16xf32>
    %broadcast_in_dim3A_29 = arith.constant 0x7F800000 : f32
    %broadcast_in_dim3A_30 = vector.broadcast %broadcast_in_dim3A_29 : f32 to vector<16xf32>
    %broadcast_in_dim3A_31 = arith.constant 0x7F800000 : f32
    %broadcast_in_dim3A_32 = vector.broadcast %broadcast_in_dim3A_31 : f32 to vector<16xf32>
    %broadcast_in_dim3A_33 = arith.constant 0 : i32
    %broadcast_in_dim3A_34 = vector.broadcast %broadcast_in_dim3A_33 : i32 to vector<16xi32>
    %broadcast_in_dim3A_35 = arith.constant 0 : i32
    %broadcast_in_dim3A_36 = vector.broadcast %broadcast_in_dim3A_35 : i32 to vector<16xi32>
    %broadcast_in_dim3A_37 = arith.constant 0 : i32
    %broadcast_in_dim3A_38 = vector.broadcast %broadcast_in_dim3A_37 : i32 to vector<16xi32>
    %broadcast_in_dim3A_39 = arith.constant 0 : i32
    %broadcast_in_dim3A_40 = vector.broadcast %broadcast_in_dim3A_39 : i32 to vector<16xi32>
    %broadcast_in_dim3A_41 = arith.constant 0 : i32
    %broadcast_in_dim3A_42 = vector.broadcast %broadcast_in_dim3A_41 : i32 to vector<16xi32>
    %broadcast_in_dim3A_43 = arith.constant 0 : i32
    %broadcast_in_dim3A_44 = vector.broadcast %broadcast_in_dim3A_43 : i32 to vector<16xi32>
    %broadcast_in_dim3A_45 = arith.constant 0 : i32
    %broadcast_in_dim3A_46 = vector.broadcast %broadcast_in_dim3A_45 : i32 to vector<16xi32>
    %broadcast_in_dim3A_47 = arith.constant 0 : i32
    %broadcast_in_dim3A_48 = vector.broadcast %broadcast_in_dim3A_47 : i32 to vector<16xi32>
    %scan3A = arith.constant 0 : i32
    %scan3A_49 = arith.constant 19 : i32
    %scan3A_50 = arith.addi %scan3A, %scan3A_49 : i32
    %scan3A_51 = arith.constant 1 : i32
    %scan3A_52:16 = scf.for %scan3A_174 = %scan3A to %scan3A_50 step %scan3A_51 iter_args(%scan3A_175 = %broadcast_in_dim3A_18, %scan3A_176 = %broadcast_in_dim3A_20, %scan3A_177 = %broadcast_in_dim3A_22, %scan3A_178 = %broadcast_in_dim3A_24, %scan3A_179 = %broadcast_in_dim3A_26, %scan3A_180 = %broadcast_in_dim3A_28, %scan3A_181 = %broadcast_in_dim3A_30, %scan3A_182 = %broadcast_in_dim3A_32, %scan3A_183 = %broadcast_in_dim3A_34, %scan3A_184 = %broadcast_in_dim3A_36, %scan3A_185 = %broadcast_in_dim3A_38, %scan3A_186 = %broadcast_in_dim3A_40, %scan3A_187 = %broadcast_in_dim3A_42, %scan3A_188 = %broadcast_in_dim3A_44, %scan3A_189 = %broadcast_in_dim3A_46, %scan3A_190 = %broadcast_in_dim3A_48) -> (vector<16xf32>, vector<16xf32>, vector<16xf32>, vector<16xf32>, vector<16xf32>, vector<16xf32>, vector<16xf32>, vector<16xf32>, vector<16xi32>, vector<16xi32>, vector<16xi32>, vector<16xi32>, vector<16xi32>, vector<16xi32>, vector<16xi32>, vector<16xi32>)  : i32 {
      %mul3A_191 = arith.constant 4 : i32
      %mul3A_192 = arith.muli %mul3A_191, %scan3A_174 : i32
      %add3A_193 = arith.constant 0 : i32
      %add3A_194 = arith.addi %mul3A_192, %add3A_193 : i32
      %dma_wait3A = tpu.memref_slice %arg2[%mul3A_2] : memref<33554432xf32, #tpu.memory_space<hbm>> -> memref<8192xf32, #tpu.memory_space<hbm>>
      %dma_wait3A_195 = tpu.memref_slice %arg2[%mul3A_2] : memref<33554432xf32, #tpu.memory_space<hbm>> -> memref<8192xf32, #tpu.memory_space<hbm>>
      tpu.wait_dma2 semaphore(%arg11 : memref<!tpu.dma_semaphore, #tpu.memory_space<semaphore_mem>>) src(%dma_wait3A_195 : memref<8192xf32, #tpu.memory_space<hbm>>) dst(%arg5 : memref<8192xf32, #tpu.memory_space<vmem>>)
      %mul3A_196 = arith.constant 64 : i32
      %mul3A_197 = arith.muli %add3A_194, %mul3A_196 : i32
      %scan3A_198 = arith.constant 0 : i32
      %scan3A_199 = arith.constant 64 : i32
      %scan3A_200 = arith.addi %scan3A_198, %scan3A_199 : i32
      %scan3A_201 = arith.constant 1 : i32
      %scan3A_202:16 = scf.for %scan3A_264 = %scan3A_198 to %scan3A_200 step %scan3A_201 iter_args(%scan3A_265 = %scan3A_175, %scan3A_266 = %scan3A_176, %scan3A_267 = %scan3A_177, %scan3A_268 = %scan3A_178, %scan3A_269 = %scan3A_179, %scan3A_270 = %scan3A_180, %scan3A_271 = %scan3A_181, %scan3A_272 = %scan3A_182, %scan3A_273 = %scan3A_183, %scan3A_274 = %scan3A_184, %scan3A_275 = %scan3A_185, %scan3A_276 = %scan3A_186, %scan3A_277 = %scan3A_187, %scan3A_278 = %scan3A_188, %scan3A_279 = %scan3A_189, %scan3A_280 = %scan3A_190) -> (vector<16xf32>, vector<16xf32>, vector<16xf32>, vector<16xf32>, vector<16xf32>, vector<16xf32>, vector<16xf32>, vector<16xf32>, vector<16xi32>, vector<16xi32>, vector<16xi32>, vector<16xi32>, vector<16xi32>, vector<16xi32>, vector<16xi32>, vector<16xi32>)  : i32 {
        %add3A_281 = arith.addi %mul3A_197, %scan3A_264 : i32
        %broadcast_in_dim3A_282 = vector.broadcast %add3A_281 : i32 to vector<16xi32>
        %mul3A_283 = arith.constant 128 : i32
        %mul3A_284 = arith.muli %scan3A_264, %mul3A_283 : i32
        %add3A_285 = arith.constant 0 : i32
        %add3A_286 = arith.addi %mul3A_284, %add3A_285 : i32
        %get3A = arith.index_cast %add3A_286 : i32 to index
        %get3A_287 = tpu.vector_load %arg5[%get3A] {strides = array<i32>} : memref<8192xf32, #tpu.memory_space<vmem>>, vector<16xf32>,
        %get3A_288 = vector.shape_cast %get3A_287 : vector<16xf32> to vector<16xf32>
        %abs3A = math.absf %get3A_288 : vector<16xf32>
        %lt3A_289 = arith.cmpf olt, %abs3A, %scan3A_265 : vector<16xf32>
        %min3A = arith.minimumf %abs3A, %scan3A_265 : vector<16xf32>
        %select_n3A_290 = arith.select %lt3A_289, %broadcast_in_dim3A_282, %scan3A_273 : vector<16xi1>, vector<16xi32>
        %mul3A_291 = arith.constant 128 : i32
        %mul3A_292 = arith.muli %scan3A_264, %mul3A_291 : i32
        %add3A_293 = arith.constant 16 : i32
        %add3A_294 = arith.addi %mul3A_292, %add3A_293 : i32
        %get3A_295 = arith.index_cast %add3A_294 : i32 to index
        %get3A_296 = tpu.vector_load %arg5[%get3A_295] {strides = array<i32>} : memref<8192xf32, #tpu.memory_space<vmem>>, vector<16xf32>,
        %get3A_297 = vector.shape_cast %get3A_296 : vector<16xf32> to vector<16xf32>
        %abs3A_298 = math.absf %get3A_297 : vector<16xf32>
        %lt3A_299 = arith.cmpf olt, %abs3A_298, %scan3A_266 : vector<16xf32>
        %min3A_300 = arith.minimumf %abs3A_298, %scan3A_266 : vector<16xf32>
        %select_n3A_301 = arith.select %lt3A_299, %broadcast_in_dim3A_282, %scan3A_274 : vector<16xi1>, vector<16xi32>
        %mul3A_302 = arith.constant 128 : i32
        %mul3A_303 = arith.muli %scan3A_264, %mul3A_302 : i32
        %add3A_304 = arith.constant 32 : i32
        %add3A_305 = arith.addi %mul3A_303, %add3A_304 : i32
        %get3A_306 = arith.index_cast %add3A_305 : i32 to index
        %get3A_307 = tpu.vector_load %arg5[%get3A_306] {strides = array<i32>} : memref<8192xf32, #tpu.memory_space<vmem>>, vector<16xf32>,
        %get3A_308 = vector.shape_cast %get3A_307 : vector<16xf32> to vector<16xf32>
        %abs3A_309 = math.absf %get3A_308 : vector<16xf32>
        %lt3A_310 = arith.cmpf olt, %abs3A_309, %scan3A_267 : vector<16xf32>
        %min3A_311 = arith.minimumf %abs3A_309, %scan3A_267 : vector<16xf32>
        %select_n3A_312 = arith.select %lt3A_310, %broadcast_in_dim3A_282, %scan3A_275 : vector<16xi1>, vector<16xi32>
        %mul3A_313 = arith.constant 128 : i32
        %mul3A_314 = arith.muli %scan3A_264, %mul3A_313 : i32
        %add3A_315 = arith.constant 48 : i32
        %add3A_316 = arith.addi %mul3A_314, %add3A_315 : i32
        %get3A_317 = arith.index_cast %add3A_316 : i32 to index
        %get3A_318 = tpu.vector_load %arg5[%get3A_317] {strides = array<i32>} : memref<8192xf32, #tpu.memory_space<vmem>>, vector<16xf32>,
        %get3A_319 = vector.shape_cast %get3A_318 : vector<16xf32> to vector<16xf32>
        %abs3A_320 = math.absf %get3A_319 : vector<16xf32>
        %lt3A_321 = arith.cmpf olt, %abs3A_320, %scan3A_268 : vector<16xf32>
        %min3A_322 = arith.minimumf %abs3A_320, %scan3A_268 : vector<16xf32>
        %select_n3A_323 = arith.select %lt3A_321, %broadcast_in_dim3A_282, %scan3A_276 : vector<16xi1>, vector<16xi32>
        %mul3A_324 = arith.constant 128 : i32
        %mul3A_325 = arith.muli %scan3A_264, %mul3A_324 : i32
        %add3A_326 = arith.constant 64 : i32
        %add3A_327 = arith.addi %mul3A_325, %add3A_326 : i32
        %get3A_328 = arith.index_cast %add3A_327 : i32 to index
        %get3A_329 = tpu.vector_load %arg5[%get3A_328] {strides = array<i32>} : memref<8192xf32, #tpu.memory_space<vmem>>, vector<16xf32>,
        %get3A_330 = vector.shape_cast %get3A_329 : vector<16xf32> to vector<16xf32>
        %abs3A_331 = math.absf %get3A_330 : vector<16xf32>
        %lt3A_332 = arith.cmpf olt, %abs3A_331, %scan3A_269 : vector<16xf32>
        %min3A_333 = arith.minimumf %abs3A_331, %scan3A_269 : vector<16xf32>
        %select_n3A_334 = arith.select %lt3A_332, %broadcast_in_dim3A_282, %scan3A_277 : vector<16xi1>, vector<16xi32>
        %mul3A_335 = arith.constant 128 : i32
        %mul3A_336 = arith.muli %scan3A_264, %mul3A_335 : i32
        %add3A_337 = arith.constant 80 : i32
        %add3A_338 = arith.addi %mul3A_336, %add3A_337 : i32
        %get3A_339 = arith.index_cast %add3A_338 : i32 to index
        %get3A_340 = tpu.vector_load %arg5[%get3A_339] {strides = array<i32>} : memref<8192xf32, #tpu.memory_space<vmem>>, vector<16xf32>,
        %get3A_341 = vector.shape_cast %get3A_340 : vector<16xf32> to vector<16xf32>
        %abs3A_342 = math.absf %get3A_341 : vector<16xf32>
        %lt3A_343 = arith.cmpf olt, %abs3A_342, %scan3A_270 : vector<16xf32>
        %min3A_344 = arith.minimumf %abs3A_342, %scan3A_270 : vector<16xf32>
        %select_n3A_345 = arith.select %lt3A_343, %broadcast_in_dim3A_282, %scan3A_278 : vector<16xi1>, vector<16xi32>
        %mul3A_346 = arith.constant 128 : i32
        %mul3A_347 = arith.muli %scan3A_264, %mul3A_346 : i32
        %add3A_348 = arith.constant 96 : i32
        %add3A_349 = arith.addi %mul3A_347, %add3A_348 : i32
        %get3A_350 = arith.index_cast %add3A_349 : i32 to index
        %get3A_351 = tpu.vector_load %arg5[%get3A_350] {strides = array<i32>} : memref<8192xf32, #tpu.memory_space<vmem>>, vector<16xf32>,
        %get3A_352 = vector.shape_cast %get3A_351 : vector<16xf32> to vector<16xf32>
        %abs3A_353 = math.absf %get3A_352 : vector<16xf32>
        %lt3A_354 = arith.cmpf olt, %abs3A_353, %scan3A_271 : vector<16xf32>
        %min3A_355 = arith.minimumf %abs3A_353, %scan3A_271 : vector<16xf32>
        %select_n3A_356 = arith.select %lt3A_354, %broadcast_in_dim3A_282, %scan3A_279 : vector<16xi1>, vector<16xi32>
        %mul3A_357 = arith.constant 128 : i32
        %mul3A_358 = arith.muli %scan3A_264, %mul3A_357 : i32
        %add3A_359 = arith.constant 112 : i32
        %add3A_360 = arith.addi %mul3A_358, %add3A_359 : i32
        %get3A_361 = arith.index_cast %add3A_360 : i32 to index
        %get3A_362 = tpu.vector_load %arg5[%get3A_361] {strides = array<i32>} : memref<8192xf32, #tpu.memory_space<vmem>>, vector<16xf32>,
        %get3A_363 = vector.shape_cast %get3A_362 : vector<16xf32> to vector<16xf32>
        %abs3A_364 = math.absf %get3A_363 : vector<16xf32>
        %lt3A_365 = arith.cmpf olt, %abs3A_364, %scan3A_272 : vector<16xf32>
        %min3A_366 = arith.minimumf %abs3A_364, %scan3A_272 : vector<16xf32>
        %select_n3A_367 = arith.select %lt3A_365, %broadcast_in_dim3A_282, %scan3A_280 : vector<16xi1>, vector<16xi32>
        scf.yield %min3A, %min3A_300, %min3A_311, %min3A_322, %min3A_333, %min3A_344, %min3A_355, %min3A_366, %select_n3A_290, %select_n3A_301, %select_n3A_312, %select_n3A_323, %select_n3A_334, %select_n3A_345, %select_n3A_356, %select_n3A_367 : vector<16xf32>, vector<16xf32>, vector<16xf32>, vector<16xf32>, vector<16xf32>, vector<16xf32>, vector<16xf32>, vector<16xf32>, vector<16xi32>, vector<16xi32>, vector<16xi32>, vector<16xi32>, vector<16xi32>, vector<16xi32>, vector<16xi32>, vector<16xi32>
      }
      %scan3A_203 = arith.constant 64 : i32
      %lt3A_204 = arith.constant 18 : i32
      %lt3A_205 = arith.cmpi slt, %scan3A_174, %lt3A_204 : i32
      %convert_element_type3A = arith.extui %lt3A_205 : i1 to i32
      %cond3A = arith.constant 0 : i32
      %cond3A_206 = arith.cmpi ne, %convert_element_type3A, %cond3A : i32
      scf.if %cond3A_206 {
        %add3A_264 = arith.constant 4 : i32
        %add3A_265 = arith.addi %add3A_194, %add3A_264 : i32
        %mul3A_266 = arith.constant 8192 : i32
        %mul3A_267 = arith.muli %add3A_265, %mul3A_266 : i32
        %add3A_268 = arith.addi %mul3A_2, %mul3A_267 : i32
        %dma_start3A_269 = tpu.memref_slice %arg2[%add3A_268] : memref<33554432xf32, #tpu.memory_space<hbm>> -> memref<8192xf32, #tpu.memory_space<hbm>>
        %dma_start3A_270 = tpu.memref_slice %arg2[%add3A_268] : memref<33554432xf32, #tpu.memory_space<hbm>> -> memref<8192xf32, #tpu.memory_space<hbm>>
        tpu.enqueue_dma source(%dma_start3A_270 : memref<8192xf32, #tpu.memory_space<hbm>>) target(%arg5 : memref<8192xf32, #tpu.memory_space<vmem>>) target_semaphore(%arg11 : memref<!tpu.dma_semaphore, #tpu.memory_space<semaphore_mem>>)
      } else {
      }
      %mul3A_207 = arith.constant 4 : i32
      %mul3A_208 = arith.muli %mul3A_207, %scan3A_174 : i32
      %add3A_209 = arith.constant 1 : i32
      %add3A_210 = arith.addi %mul3A_208, %add3A_209 : i32
      %dma_wait3A_211 = tpu.memref_slice %arg2[%mul3A_2] : memref<33554432xf32, #tpu.memory_space<hbm>> -> memref<8192xf32, #tpu.memory_space<hbm>>
      %dma_wait3A_212 = tpu.memref_slice %arg2[%mul3A_2] : memref<33554432xf32, #tpu.memory_space<hbm>> -> memref<8192xf32, #tpu.memory_space<hbm>>
      tpu.wait_dma2 semaphore(%arg12 : memref<!tpu.dma_semaphore, #tpu.memory_space<semaphore_mem>>) src(%dma_wait3A_212 : memref<8192xf32, #tpu.memory_space<hbm>>) dst(%arg6 : memref<8192xf32, #tpu.memory_space<vmem>>)
      %mul3A_213 = arith.constant 64 : i32
      %mul3A_214 = arith.muli %add3A_210, %mul3A_213 : i32
      %scan3A_215 = arith.constant 0 : i32
      %scan3A_216 = arith.constant 64 : i32
      %scan3A_217 = arith.addi %scan3A_215, %scan3A_216 : i32
      %scan3A_218 = arith.constant 1 : i32
      %scan3A_219:16 = scf.for %scan3A_264 = %scan3A_215 to %scan3A_217 step %scan3A_218 iter_args(%scan3A_265 = %scan3A_202#0, %scan3A_266 = %scan3A_202#1, %scan3A_267 = %scan3A_202#2, %scan3A_268 = %scan3A_202#3, %scan3A_269 = %scan3A_202#4, %scan3A_270 = %scan3A_202#5, %scan3A_271 = %scan3A_202#6, %scan3A_272 = %scan3A_202#7, %scan3A_273 = %scan3A_202#8, %scan3A_274 = %scan3A_202#9, %scan3A_275 = %scan3A_202#10, %scan3A_276 = %scan3A_202#11, %scan3A_277 = %scan3A_202#12, %scan3A_278 = %scan3A_202#13, %scan3A_279 = %scan3A_202#14, %scan3A_280 = %scan3A_202#15) -> (vector<16xf32>, vector<16xf32>, vector<16xf32>, vector<16xf32>, vector<16xf32>, vector<16xf32>, vector<16xf32>, vector<16xf32>, vector<16xi32>, vector<16xi32>, vector<16xi32>, vector<16xi32>, vector<16xi32>, vector<16xi32>, vector<16xi32>, vector<16xi32>)  : i32 {
        %add3A_281 = arith.addi %mul3A_214, %scan3A_264 : i32
        %broadcast_in_dim3A_282 = vector.broadcast %add3A_281 : i32 to vector<16xi32>
        %mul3A_283 = arith.constant 128 : i32
        %mul3A_284 = arith.muli %scan3A_264, %mul3A_283 : i32
        %add3A_285 = arith.constant 0 : i32
        %add3A_286 = arith.addi %mul3A_284, %add3A_285 : i32
        %get3A = arith.index_cast %add3A_286 : i32 to index
        %get3A_287 = tpu.vector_load %arg6[%get3A] {strides = array<i32>} : memref<8192xf32, #tpu.memory_space<vmem>>, vector<16xf32>,
        %get3A_288 = vector.shape_cast %get3A_287 : vector<16xf32> to vector<16xf32>
        %abs3A = math.absf %get3A_288 : vector<16xf32>
        %lt3A_289 = arith.cmpf olt, %abs3A, %scan3A_265 : vector<16xf32>
        %min3A = arith.minimumf %abs3A, %scan3A_265 : vector<16xf32>
        %select_n3A_290 = arith.select %lt3A_289, %broadcast_in_dim3A_282, %scan3A_273 : vector<16xi1>, vector<16xi32>
        %mul3A_291 = arith.constant 128 : i32
        %mul3A_292 = arith.muli %scan3A_264, %mul3A_291 : i32
        %add3A_293 = arith.constant 16 : i32
        %add3A_294 = arith.addi %mul3A_292, %add3A_293 : i32
        %get3A_295 = arith.index_cast %add3A_294 : i32 to index
        %get3A_296 = tpu.vector_load %arg6[%get3A_295] {strides = array<i32>} : memref<8192xf32, #tpu.memory_space<vmem>>, vector<16xf32>,
        %get3A_297 = vector.shape_cast %get3A_296 : vector<16xf32> to vector<16xf32>
        %abs3A_298 = math.absf %get3A_297 : vector<16xf32>
        %lt3A_299 = arith.cmpf olt, %abs3A_298, %scan3A_266 : vector<16xf32>
        %min3A_300 = arith.minimumf %abs3A_298, %scan3A_266 : vector<16xf32>
        %select_n3A_301 = arith.select %lt3A_299, %broadcast_in_dim3A_282, %scan3A_274 : vector<16xi1>, vector<16xi32>
        %mul3A_302 = arith.constant 128 : i32
        %mul3A_303 = arith.muli %scan3A_264, %mul3A_302 : i32
        %add3A_304 = arith.constant 32 : i32
        %add3A_305 = arith.addi %mul3A_303, %add3A_304 : i32
        %get3A_306 = arith.index_cast %add3A_305 : i32 to index
        %get3A_307 = tpu.vector_load %arg6[%get3A_306] {strides = array<i32>} : memref<8192xf32, #tpu.memory_space<vmem>>, vector<16xf32>,
        %get3A_308 = vector.shape_cast %get3A_307 : vector<16xf32> to vector<16xf32>
        %abs3A_309 = math.absf %get3A_308 : vector<16xf32>
        %lt3A_310 = arith.cmpf olt, %abs3A_309, %scan3A_267 : vector<16xf32>
        %min3A_311 = arith.minimumf %abs3A_309, %scan3A_267 : vector<16xf32>
        %select_n3A_312 = arith.select %lt3A_310, %broadcast_in_dim3A_282, %scan3A_275 : vector<16xi1>, vector<16xi32>
        %mul3A_313 = arith.constant 128 : i32
        %mul3A_314 = arith.muli %scan3A_264, %mul3A_313 : i32
        %add3A_315 = arith.constant 48 : i32
        %add3A_316 = arith.addi %mul3A_314, %add3A_315 : i32
        %get3A_317 = arith.index_cast %add3A_316 : i32 to index
        %get3A_318 = tpu.vector_load %arg6[%get3A_317] {strides = array<i32>} : memref<8192xf32, #tpu.memory_space<vmem>>, vector<16xf32>,
        %get3A_319 = vector.shape_cast %get3A_318 : vector<16xf32> to vector<16xf32>
        %abs3A_320 = math.absf %get3A_319 : vector<16xf32>
        %lt3A_321 = arith.cmpf olt, %abs3A_320, %scan3A_268 : vector<16xf32>
        %min3A_322 = arith.minimumf %abs3A_320, %scan3A_268 : vector<16xf32>
        %select_n3A_323 = arith.select %lt3A_321, %broadcast_in_dim3A_282, %scan3A_276 : vector<16xi1>, vector<16xi32>
        %mul3A_324 = arith.constant 128 : i32
        %mul3A_325 = arith.muli %scan3A_264, %mul3A_324 : i32
        %add3A_326 = arith.constant 64 : i32
        %add3A_327 = arith.addi %mul3A_325, %add3A_326 : i32
        %get3A_328 = arith.index_cast %add3A_327 : i32 to index
        %get3A_329 = tpu.vector_load %arg6[%get3A_328] {strides = array<i32>} : memref<8192xf32, #tpu.memory_space<vmem>>, vector<16xf32>,
        %get3A_330 = vector.shape_cast %get3A_329 : vector<16xf32> to vector<16xf32>
        %abs3A_331 = math.absf %get3A_330 : vector<16xf32>
        %lt3A_332 = arith.cmpf olt, %abs3A_331, %scan3A_269 : vector<16xf32>
        %min3A_333 = arith.minimumf %abs3A_331, %scan3A_269 : vector<16xf32>
        %select_n3A_334 = arith.select %lt3A_332, %broadcast_in_dim3A_282, %scan3A_277 : vector<16xi1>, vector<16xi32>
        %mul3A_335 = arith.constant 128 : i32
        %mul3A_336 = arith.muli %scan3A_264, %mul3A_335 : i32
        %add3A_337 = arith.constant 80 : i32
        %add3A_338 = arith.addi %mul3A_336, %add3A_337 : i32
        %get3A_339 = arith.index_cast %add3A_338 : i32 to index
        %get3A_340 = tpu.vector_load %arg6[%get3A_339] {strides = array<i32>} : memref<8192xf32, #tpu.memory_space<vmem>>, vector<16xf32>,
        %get3A_341 = vector.shape_cast %get3A_340 : vector<16xf32> to vector<16xf32>
        %abs3A_342 = math.absf %get3A_341 : vector<16xf32>
        %lt3A_343 = arith.cmpf olt, %abs3A_342, %scan3A_270 : vector<16xf32>
        %min3A_344 = arith.minimumf %abs3A_342, %scan3A_270 : vector<16xf32>
        %select_n3A_345 = arith.select %lt3A_343, %broadcast_in_dim3A_282, %scan3A_278 : vector<16xi1>, vector<16xi32>
        %mul3A_346 = arith.constant 128 : i32
        %mul3A_347 = arith.muli %scan3A_264, %mul3A_346 : i32
        %add3A_348 = arith.constant 96 : i32
        %add3A_349 = arith.addi %mul3A_347, %add3A_348 : i32
        %get3A_350 = arith.index_cast %add3A_349 : i32 to index
        %get3A_351 = tpu.vector_load %arg6[%get3A_350] {strides = array<i32>} : memref<8192xf32, #tpu.memory_space<vmem>>, vector<16xf32>,
        %get3A_352 = vector.shape_cast %get3A_351 : vector<16xf32> to vector<16xf32>
        %abs3A_353 = math.absf %get3A_352 : vector<16xf32>
        %lt3A_354 = arith.cmpf olt, %abs3A_353, %scan3A_271 : vector<16xf32>
        %min3A_355 = arith.minimumf %abs3A_353, %scan3A_271 : vector<16xf32>
        %select_n3A_356 = arith.select %lt3A_354, %broadcast_in_dim3A_282, %scan3A_279 : vector<16xi1>, vector<16xi32>
        %mul3A_357 = arith.constant 128 : i32
        %mul3A_358 = arith.muli %scan3A_264, %mul3A_357 : i32
        %add3A_359 = arith.constant 112 : i32
        %add3A_360 = arith.addi %mul3A_358, %add3A_359 : i32
        %get3A_361 = arith.index_cast %add3A_360 : i32 to index
        %get3A_362 = tpu.vector_load %arg6[%get3A_361] {strides = array<i32>} : memref<8192xf32, #tpu.memory_space<vmem>>, vector<16xf32>,
        %get3A_363 = vector.shape_cast %get3A_362 : vector<16xf32> to vector<16xf32>
        %abs3A_364 = math.absf %get3A_363 : vector<16xf32>
        %lt3A_365 = arith.cmpf olt, %abs3A_364, %scan3A_272 : vector<16xf32>
        %min3A_366 = arith.minimumf %abs3A_364, %scan3A_272 : vector<16xf32>
        %select_n3A_367 = arith.select %lt3A_365, %broadcast_in_dim3A_282, %scan3A_280 : vector<16xi1>, vector<16xi32>
        scf.yield %min3A, %min3A_300, %min3A_311, %min3A_322, %min3A_333, %min3A_344, %min3A_355, %min3A_366, %select_n3A_290, %select_n3A_301, %select_n3A_312, %select_n3A_323, %select_n3A_334, %select_n3A_345, %select_n3A_356, %select_n3A_367 : vector<16xf32>, vector<16xf32>, vector<16xf32>, vector<16xf32>, vector<16xf32>, vector<16xf32>, vector<16xf32>, vector<16xf32>, vector<16xi32>, vector<16xi32>, vector<16xi32>, vector<16xi32>, vector<16xi32>, vector<16xi32>, vector<16xi32>, vector<16xi32>
      }
      %scan3A_220 = arith.constant 64 : i32
      %lt3A_221 = arith.constant 18 : i32
      %lt3A_222 = arith.cmpi slt, %scan3A_174, %lt3A_221 : i32
      %convert_element_type3A_223 = arith.extui %lt3A_222 : i1 to i32
      %cond3A_224 = arith.constant 0 : i32
      %cond3A_225 = arith.cmpi ne, %convert_element_type3A_223, %cond3A_224 : i32
      scf.if %cond3A_225 {
        %add3A_264 = arith.constant 4 : i32
        %add3A_265 = arith.addi %add3A_210, %add3A_264 : i32
        %mul3A_266 = arith.constant 8192 : i32
        %mul3A_267 = arith.muli %add3A_265, %mul3A_266 : i32
        %add3A_268 = arith.addi %mul3A_2, %mul3A_267 : i32
        %dma_start3A_269 = tpu.memref_slice %arg2[%add3A_268] : memref<33554432xf32, #tpu.memory_space<hbm>> -> memref<8192xf32, #tpu.memory_space<hbm>>
        %dma_start3A_270 = tpu.memref_slice %arg2[%add3A_268] : memref<33554432xf32, #tpu.memory_space<hbm>> -> memref<8192xf32, #tpu.memory_space<hbm>>
        tpu.enqueue_dma source(%dma_start3A_270 : memref<8192xf32, #tpu.memory_space<hbm>>) target(%arg6 : memref<8192xf32, #tpu.memory_space<vmem>>) target_semaphore(%arg12 : memref<!tpu.dma_semaphore, #tpu.memory_space<semaphore_mem>>)
      } else {
      }
      %mul3A_226 = arith.constant 4 : i32
      %mul3A_227 = arith.muli %mul3A_226, %scan3A_174 : i32
      %add3A_228 = arith.constant 2 : i32
      %add3A_229 = arith.addi %mul3A_227, %add3A_228 : i32
      %dma_wait3A_230 = tpu.memref_slice %arg2[%mul3A_2] : memref<33554432xf32, #tpu.memory_space<hbm>> -> memref<8192xf32, #tpu.memory_space<hbm>>
      %dma_wait3A_231 = tpu.memref_slice %arg2[%mul3A_2] : memref<33554432xf32, #tpu.memory_space<hbm>> -> memref<8192xf32, #tpu.memory_space<hbm>>
      tpu.wait_dma2 semaphore(%arg13 : memref<!tpu.dma_semaphore, #tpu.memory_space<semaphore_mem>>) src(%dma_wait3A_231 : memref<8192xf32, #tpu.memory_space<hbm>>) dst(%arg7 : memref<8192xf32, #tpu.memory_space<vmem>>)
      %mul3A_232 = arith.constant 64 : i32
      %mul3A_233 = arith.muli %add3A_229, %mul3A_232 : i32
      %scan3A_234 = arith.constant 0 : i32
      %scan3A_235 = arith.constant 64 : i32
      %scan3A_236 = arith.addi %scan3A_234, %scan3A_235 : i32
      %scan3A_237 = arith.constant 1 : i32
      %scan3A_238:16 = scf.for %scan3A_264 = %scan3A_234 to %scan3A_236 step %scan3A_237 iter_args(%scan3A_265 = %scan3A_219#0, %scan3A_266 = %scan3A_219#1, %scan3A_267 = %scan3A_219#2, %scan3A_268 = %scan3A_219#3, %scan3A_269 = %scan3A_219#4, %scan3A_270 = %scan3A_219#5, %scan3A_271 = %scan3A_219#6, %scan3A_272 = %scan3A_219#7, %scan3A_273 = %scan3A_219#8, %scan3A_274 = %scan3A_219#9, %scan3A_275 = %scan3A_219#10, %scan3A_276 = %scan3A_219#11, %scan3A_277 = %scan3A_219#12, %scan3A_278 = %scan3A_219#13, %scan3A_279 = %scan3A_219#14, %scan3A_280 = %scan3A_219#15) -> (vector<16xf32>, vector<16xf32>, vector<16xf32>, vector<16xf32>, vector<16xf32>, vector<16xf32>, vector<16xf32>, vector<16xf32>, vector<16xi32>, vector<16xi32>, vector<16xi32>, vector<16xi32>, vector<16xi32>, vector<16xi32>, vector<16xi32>, vector<16xi32>)  : i32 {
        %add3A_281 = arith.addi %mul3A_233, %scan3A_264 : i32
        %broadcast_in_dim3A_282 = vector.broadcast %add3A_281 : i32 to vector<16xi32>
        %mul3A_283 = arith.constant 128 : i32
        %mul3A_284 = arith.muli %scan3A_264, %mul3A_283 : i32
        %add3A_285 = arith.constant 0 : i32
        %add3A_286 = arith.addi %mul3A_284, %add3A_285 : i32
        %get3A = arith.index_cast %add3A_286 : i32 to index
        %get3A_287 = tpu.vector_load %arg7[%get3A] {strides = array<i32>} : memref<8192xf32, #tpu.memory_space<vmem>>, vector<16xf32>,
        %get3A_288 = vector.shape_cast %get3A_287 : vector<16xf32> to vector<16xf32>
        %abs3A = math.absf %get3A_288 : vector<16xf32>
        %lt3A_289 = arith.cmpf olt, %abs3A, %scan3A_265 : vector<16xf32>
        %min3A = arith.minimumf %abs3A, %scan3A_265 : vector<16xf32>
        %select_n3A_290 = arith.select %lt3A_289, %broadcast_in_dim3A_282, %scan3A_273 : vector<16xi1>, vector<16xi32>
        %mul3A_291 = arith.constant 128 : i32
        %mul3A_292 = arith.muli %scan3A_264, %mul3A_291 : i32
        %add3A_293 = arith.constant 16 : i32
        %add3A_294 = arith.addi %mul3A_292, %add3A_293 : i32
        %get3A_295 = arith.index_cast %add3A_294 : i32 to index
        %get3A_296 = tpu.vector_load %arg7[%get3A_295] {strides = array<i32>} : memref<8192xf32, #tpu.memory_space<vmem>>, vector<16xf32>,
        %get3A_297 = vector.shape_cast %get3A_296 : vector<16xf32> to vector<16xf32>
        %abs3A_298 = math.absf %get3A_297 : vector<16xf32>
        %lt3A_299 = arith.cmpf olt, %abs3A_298, %scan3A_266 : vector<16xf32>
        %min3A_300 = arith.minimumf %abs3A_298, %scan3A_266 : vector<16xf32>
        %select_n3A_301 = arith.select %lt3A_299, %broadcast_in_dim3A_282, %scan3A_274 : vector<16xi1>, vector<16xi32>
        %mul3A_302 = arith.constant 128 : i32
        %mul3A_303 = arith.muli %scan3A_264, %mul3A_302 : i32
        %add3A_304 = arith.constant 32 : i32
        %add3A_305 = arith.addi %mul3A_303, %add3A_304 : i32
        %get3A_306 = arith.index_cast %add3A_305 : i32 to index
        %get3A_307 = tpu.vector_load %arg7[%get3A_306] {strides = array<i32>} : memref<8192xf32, #tpu.memory_space<vmem>>, vector<16xf32>,
        %get3A_308 = vector.shape_cast %get3A_307 : vector<16xf32> to vector<16xf32>
        %abs3A_309 = math.absf %get3A_308 : vector<16xf32>
        %lt3A_310 = arith.cmpf olt, %abs3A_309, %scan3A_267 : vector<16xf32>
        %min3A_311 = arith.minimumf %abs3A_309, %scan3A_267 : vector<16xf32>
        %select_n3A_312 = arith.select %lt3A_310, %broadcast_in_dim3A_282, %scan3A_275 : vector<16xi1>, vector<16xi32>
        %mul3A_313 = arith.constant 128 : i32
        %mul3A_314 = arith.muli %scan3A_264, %mul3A_313 : i32
        %add3A_315 = arith.constant 48 : i32
        %add3A_316 = arith.addi %mul3A_314, %add3A_315 : i32
        %get3A_317 = arith.index_cast %add3A_316 : i32 to index
        %get3A_318 = tpu.vector_load %arg7[%get3A_317] {strides = array<i32>} : memref<8192xf32, #tpu.memory_space<vmem>>, vector<16xf32>,
        %get3A_319 = vector.shape_cast %get3A_318 : vector<16xf32> to vector<16xf32>
        %abs3A_320 = math.absf %get3A_319 : vector<16xf32>
        %lt3A_321 = arith.cmpf olt, %abs3A_320, %scan3A_268 : vector<16xf32>
        %min3A_322 = arith.minimumf %abs3A_320, %scan3A_268 : vector<16xf32>
        %select_n3A_323 = arith.select %lt3A_321, %broadcast_in_dim3A_282, %scan3A_276 : vector<16xi1>, vector<16xi32>
        %mul3A_324 = arith.constant 128 : i32
        %mul3A_325 = arith.muli %scan3A_264, %mul3A_324 : i32
        %add3A_326 = arith.constant 64 : i32
        %add3A_327 = arith.addi %mul3A_325, %add3A_326 : i32
        %get3A_328 = arith.index_cast %add3A_327 : i32 to index
        %get3A_329 = tpu.vector_load %arg7[%get3A_328] {strides = array<i32>} : memref<8192xf32, #tpu.memory_space<vmem>>, vector<16xf32>,
        %get3A_330 = vector.shape_cast %get3A_329 : vector<16xf32> to vector<16xf32>
        %abs3A_331 = math.absf %get3A_330 : vector<16xf32>
        %lt3A_332 = arith.cmpf olt, %abs3A_331, %scan3A_269 : vector<16xf32>
        %min3A_333 = arith.minimumf %abs3A_331, %scan3A_269 : vector<16xf32>
        %select_n3A_334 = arith.select %lt3A_332, %broadcast_in_dim3A_282, %scan3A_277 : vector<16xi1>, vector<16xi32>
        %mul3A_335 = arith.constant 128 : i32
        %mul3A_336 = arith.muli %scan3A_264, %mul3A_335 : i32
        %add3A_337 = arith.constant 80 : i32
        %add3A_338 = arith.addi %mul3A_336, %add3A_337 : i32
        %get3A_339 = arith.index_cast %add3A_338 : i32 to index
        %get3A_340 = tpu.vector_load %arg7[%get3A_339] {strides = array<i32>} : memref<8192xf32, #tpu.memory_space<vmem>>, vector<16xf32>,
        %get3A_341 = vector.shape_cast %get3A_340 : vector<16xf32> to vector<16xf32>
        %abs3A_342 = math.absf %get3A_341 : vector<16xf32>
        %lt3A_343 = arith.cmpf olt, %abs3A_342, %scan3A_270 : vector<16xf32>
        %min3A_344 = arith.minimumf %abs3A_342, %scan3A_270 : vector<16xf32>
        %select_n3A_345 = arith.select %lt3A_343, %broadcast_in_dim3A_282, %scan3A_278 : vector<16xi1>, vector<16xi32>
        %mul3A_346 = arith.constant 128 : i32
        %mul3A_347 = arith.muli %scan3A_264, %mul3A_346 : i32
        %add3A_348 = arith.constant 96 : i32
        %add3A_349 = arith.addi %mul3A_347, %add3A_348 : i32
        %get3A_350 = arith.index_cast %add3A_349 : i32 to index
        %get3A_351 = tpu.vector_load %arg7[%get3A_350] {strides = array<i32>} : memref<8192xf32, #tpu.memory_space<vmem>>, vector<16xf32>,
        %get3A_352 = vector.shape_cast %get3A_351 : vector<16xf32> to vector<16xf32>
        %abs3A_353 = math.absf %get3A_352 : vector<16xf32>
        %lt3A_354 = arith.cmpf olt, %abs3A_353, %scan3A_271 : vector<16xf32>
        %min3A_355 = arith.minimumf %abs3A_353, %scan3A_271 : vector<16xf32>
        %select_n3A_356 = arith.select %lt3A_354, %broadcast_in_dim3A_282, %scan3A_279 : vector<16xi1>, vector<16xi32>
        %mul3A_357 = arith.constant 128 : i32
        %mul3A_358 = arith.muli %scan3A_264, %mul3A_357 : i32
        %add3A_359 = arith.constant 112 : i32
        %add3A_360 = arith.addi %mul3A_358, %add3A_359 : i32
        %get3A_361 = arith.index_cast %add3A_360 : i32 to index
        %get3A_362 = tpu.vector_load %arg7[%get3A_361] {strides = array<i32>} : memref<8192xf32, #tpu.memory_space<vmem>>, vector<16xf32>,
        %get3A_363 = vector.shape_cast %get3A_362 : vector<16xf32> to vector<16xf32>
        %abs3A_364 = math.absf %get3A_363 : vector<16xf32>
        %lt3A_365 = arith.cmpf olt, %abs3A_364, %scan3A_272 : vector<16xf32>
        %min3A_366 = arith.minimumf %abs3A_364, %scan3A_272 : vector<16xf32>
        %select_n3A_367 = arith.select %lt3A_365, %broadcast_in_dim3A_282, %scan3A_280 : vector<16xi1>, vector<16xi32>
        scf.yield %min3A, %min3A_300, %min3A_311, %min3A_322, %min3A_333, %min3A_344, %min3A_355, %min3A_366, %select_n3A_290, %select_n3A_301, %select_n3A_312, %select_n3A_323, %select_n3A_334, %select_n3A_345, %select_n3A_356, %select_n3A_367 : vector<16xf32>, vector<16xf32>, vector<16xf32>, vector<16xf32>, vector<16xf32>, vector<16xf32>, vector<16xf32>, vector<16xf32>, vector<16xi32>, vector<16xi32>, vector<16xi32>, vector<16xi32>, vector<16xi32>, vector<16xi32>, vector<16xi32>, vector<16xi32>
      }
      %scan3A_239 = arith.constant 64 : i32
      %lt3A_240 = arith.constant 18 : i32
      %lt3A_241 = arith.cmpi slt, %scan3A_174, %lt3A_240 : i32
      %convert_element_type3A_242 = arith.extui %lt3A_241 : i1 to i32
      %cond3A_243 = arith.constant 0 : i32
      %cond3A_244 = arith.cmpi ne, %convert_element_type3A_242, %cond3A_243 : i32
      scf.if %cond3A_244 {
        %add3A_264 = arith.constant 4 : i32
        %add3A_265 = arith.addi %add3A_229, %add3A_264 : i32
        %mul3A_266 = arith.constant 8192 : i32
        %mul3A_267 = arith.muli %add3A_265, %mul3A_266 : i32
        %add3A_268 = arith.addi %mul3A_2, %mul3A_267 : i32
        %dma_start3A_269 = tpu.memref_slice %arg2[%add3A_268] : memref<33554432xf32, #tpu.memory_space<hbm>> -> memref<8192xf32, #tpu.memory_space<hbm>>
        %dma_start3A_270 = tpu.memref_slice %arg2[%add3A_268] : memref<33554432xf32, #tpu.memory_space<hbm>> -> memref<8192xf32, #tpu.memory_space<hbm>>
        tpu.enqueue_dma source(%dma_start3A_270 : memref<8192xf32, #tpu.memory_space<hbm>>) target(%arg7 : memref<8192xf32, #tpu.memory_space<vmem>>) target_semaphore(%arg13 : memref<!tpu.dma_semaphore, #tpu.memory_space<semaphore_mem>>)
      } else {
      }
      %mul3A_245 = arith.constant 4 : i32
      %mul3A_246 = arith.muli %mul3A_245, %scan3A_174 : i32
      %add3A_247 = arith.constant 3 : i32
      %add3A_248 = arith.addi %mul3A_246, %add3A_247 : i32
      %dma_wait3A_249 = tpu.memref_slice %arg2[%mul3A_2] : memref<33554432xf32, #tpu.memory_space<hbm>> -> memref<8192xf32, #tpu.memory_space<hbm>>
      %dma_wait3A_250 = tpu.memref_slice %arg2[%mul3A_2] : memref<33554432xf32, #tpu.memory_space<hbm>> -> memref<8192xf32, #tpu.memory_space<hbm>>
      tpu.wait_dma2 semaphore(%arg14 : memref<!tpu.dma_semaphore, #tpu.memory_space<semaphore_mem>>) src(%dma_wait3A_250 : memref<8192xf32, #tpu.memory_space<hbm>>) dst(%arg8 : memref<8192xf32, #tpu.memory_space<vmem>>)
      %mul3A_251 = arith.constant 64 : i32
      %mul3A_252 = arith.muli %add3A_248, %mul3A_251 : i32
      %scan3A_253 = arith.constant 0 : i32
      %scan3A_254 = arith.constant 64 : i32
      %scan3A_255 = arith.addi %scan3A_253, %scan3A_254 : i32
      %scan3A_256 = arith.constant 1 : i32
      %scan3A_257:16 = scf.for %scan3A_264 = %scan3A_253 to %scan3A_255 step %scan3A_256 iter_args(%scan3A_265 = %scan3A_238#0, %scan3A_266 = %scan3A_238#1, %scan3A_267 = %scan3A_238#2, %scan3A_268 = %scan3A_238#3, %scan3A_269 = %scan3A_238#4, %scan3A_270 = %scan3A_238#5, %scan3A_271 = %scan3A_238#6, %scan3A_272 = %scan3A_238#7, %scan3A_273 = %scan3A_238#8, %scan3A_274 = %scan3A_238#9, %scan3A_275 = %scan3A_238#10, %scan3A_276 = %scan3A_238#11, %scan3A_277 = %scan3A_238#12, %scan3A_278 = %scan3A_238#13, %scan3A_279 = %scan3A_238#14, %scan3A_280 = %scan3A_238#15) -> (vector<16xf32>, vector<16xf32>, vector<16xf32>, vector<16xf32>, vector<16xf32>, vector<16xf32>, vector<16xf32>, vector<16xf32>, vector<16xi32>, vector<16xi32>, vector<16xi32>, vector<16xi32>, vector<16xi32>, vector<16xi32>, vector<16xi32>, vector<16xi32>)  : i32 {
        %add3A_281 = arith.addi %mul3A_252, %scan3A_264 : i32
        %broadcast_in_dim3A_282 = vector.broadcast %add3A_281 : i32 to vector<16xi32>
        %mul3A_283 = arith.constant 128 : i32
        %mul3A_284 = arith.muli %scan3A_264, %mul3A_283 : i32
        %add3A_285 = arith.constant 0 : i32
        %add3A_286 = arith.addi %mul3A_284, %add3A_285 : i32
        %get3A = arith.index_cast %add3A_286 : i32 to index
        %get3A_287 = tpu.vector_load %arg8[%get3A] {strides = array<i32>} : memref<8192xf32, #tpu.memory_space<vmem>>, vector<16xf32>,
        %get3A_288 = vector.shape_cast %get3A_287 : vector<16xf32> to vector<16xf32>
        %abs3A = math.absf %get3A_288 : vector<16xf32>
        %lt3A_289 = arith.cmpf olt, %abs3A, %scan3A_265 : vector<16xf32>
        %min3A = arith.minimumf %abs3A, %scan3A_265 : vector<16xf32>
        %select_n3A_290 = arith.select %lt3A_289, %broadcast_in_dim3A_282, %scan3A_273 : vector<16xi1>, vector<16xi32>
        %mul3A_291 = arith.constant 128 : i32
        %mul3A_292 = arith.muli %scan3A_264, %mul3A_291 : i32
        %add3A_293 = arith.constant 16 : i32
        %add3A_294 = arith.addi %mul3A_292, %add3A_293 : i32
        %get3A_295 = arith.index_cast %add3A_294 : i32 to index
        %get3A_296 = tpu.vector_load %arg8[%get3A_295] {strides = array<i32>} : memref<8192xf32, #tpu.memory_space<vmem>>, vector<16xf32>,
        %get3A_297 = vector.shape_cast %get3A_296 : vector<16xf32> to vector<16xf32>
        %abs3A_298 = math.absf %get3A_297 : vector<16xf32>
        %lt3A_299 = arith.cmpf olt, %abs3A_298, %scan3A_266 : vector<16xf32>
        %min3A_300 = arith.minimumf %abs3A_298, %scan3A_266 : vector<16xf32>
        %select_n3A_301 = arith.select %lt3A_299, %broadcast_in_dim3A_282, %scan3A_274 : vector<16xi1>, vector<16xi32>
        %mul3A_302 = arith.constant 128 : i32
        %mul3A_303 = arith.muli %scan3A_264, %mul3A_302 : i32
        %add3A_304 = arith.constant 32 : i32
        %add3A_305 = arith.addi %mul3A_303, %add3A_304 : i32
        %get3A_306 = arith.index_cast %add3A_305 : i32 to index
        %get3A_307 = tpu.vector_load %arg8[%get3A_306] {strides = array<i32>} : memref<8192xf32, #tpu.memory_space<vmem>>, vector<16xf32>,
        %get3A_308 = vector.shape_cast %get3A_307 : vector<16xf32> to vector<16xf32>
        %abs3A_309 = math.absf %get3A_308 : vector<16xf32>
        %lt3A_310 = arith.cmpf olt, %abs3A_309, %scan3A_267 : vector<16xf32>
        %min3A_311 = arith.minimumf %abs3A_309, %scan3A_267 : vector<16xf32>
        %select_n3A_312 = arith.select %lt3A_310, %broadcast_in_dim3A_282, %scan3A_275 : vector<16xi1>, vector<16xi32>
        %mul3A_313 = arith.constant 128 : i32
        %mul3A_314 = arith.muli %scan3A_264, %mul3A_313 : i32
        %add3A_315 = arith.constant 48 : i32
        %add3A_316 = arith.addi %mul3A_314, %add3A_315 : i32
        %get3A_317 = arith.index_cast %add3A_316 : i32 to index
        %get3A_318 = tpu.vector_load %arg8[%get3A_317] {strides = array<i32>} : memref<8192xf32, #tpu.memory_space<vmem>>, vector<16xf32>,
        %get3A_319 = vector.shape_cast %get3A_318 : vector<16xf32> to vector<16xf32>
        %abs3A_320 = math.absf %get3A_319 : vector<16xf32>
        %lt3A_321 = arith.cmpf olt, %abs3A_320, %scan3A_268 : vector<16xf32>
        %min3A_322 = arith.minimumf %abs3A_320, %scan3A_268 : vector<16xf32>
        %select_n3A_323 = arith.select %lt3A_321, %broadcast_in_dim3A_282, %scan3A_276 : vector<16xi1>, vector<16xi32>
        %mul3A_324 = arith.constant 128 : i32
        %mul3A_325 = arith.muli %scan3A_264, %mul3A_324 : i32
        %add3A_326 = arith.constant 64 : i32
        %add3A_327 = arith.addi %mul3A_325, %add3A_326 : i32
        %get3A_328 = arith.index_cast %add3A_327 : i32 to index
        %get3A_329 = tpu.vector_load %arg8[%get3A_328] {strides = array<i32>} : memref<8192xf32, #tpu.memory_space<vmem>>, vector<16xf32>,
        %get3A_330 = vector.shape_cast %get3A_329 : vector<16xf32> to vector<16xf32>
        %abs3A_331 = math.absf %get3A_330 : vector<16xf32>
        %lt3A_332 = arith.cmpf olt, %abs3A_331, %scan3A_269 : vector<16xf32>
        %min3A_333 = arith.minimumf %abs3A_331, %scan3A_269 : vector<16xf32>
        %select_n3A_334 = arith.select %lt3A_332, %broadcast_in_dim3A_282, %scan3A_277 : vector<16xi1>, vector<16xi32>
        %mul3A_335 = arith.constant 128 : i32
        %mul3A_336 = arith.muli %scan3A_264, %mul3A_335 : i32
        %add3A_337 = arith.constant 80 : i32
        %add3A_338 = arith.addi %mul3A_336, %add3A_337 : i32
        %get3A_339 = arith.index_cast %add3A_338 : i32 to index
        %get3A_340 = tpu.vector_load %arg8[%get3A_339] {strides = array<i32>} : memref<8192xf32, #tpu.memory_space<vmem>>, vector<16xf32>,
        %get3A_341 = vector.shape_cast %get3A_340 : vector<16xf32> to vector<16xf32>
        %abs3A_342 = math.absf %get3A_341 : vector<16xf32>
        %lt3A_343 = arith.cmpf olt, %abs3A_342, %scan3A_270 : vector<16xf32>
        %min3A_344 = arith.minimumf %abs3A_342, %scan3A_270 : vector<16xf32>
        %select_n3A_345 = arith.select %lt3A_343, %broadcast_in_dim3A_282, %scan3A_278 : vector<16xi1>, vector<16xi32>
        %mul3A_346 = arith.constant 128 : i32
        %mul3A_347 = arith.muli %scan3A_264, %mul3A_346 : i32
        %add3A_348 = arith.constant 96 : i32
        %add3A_349 = arith.addi %mul3A_347, %add3A_348 : i32
        %get3A_350 = arith.index_cast %add3A_349 : i32 to index
        %get3A_351 = tpu.vector_load %arg8[%get3A_350] {strides = array<i32>} : memref<8192xf32, #tpu.memory_space<vmem>>, vector<16xf32>,
        %get3A_352 = vector.shape_cast %get3A_351 : vector<16xf32> to vector<16xf32>
        %abs3A_353 = math.absf %get3A_352 : vector<16xf32>
        %lt3A_354 = arith.cmpf olt, %abs3A_353, %scan3A_271 : vector<16xf32>
        %min3A_355 = arith.minimumf %abs3A_353, %scan3A_271 : vector<16xf32>
        %select_n3A_356 = arith.select %lt3A_354, %broadcast_in_dim3A_282, %scan3A_279 : vector<16xi1>, vector<16xi32>
        %mul3A_357 = arith.constant 128 : i32
        %mul3A_358 = arith.muli %scan3A_264, %mul3A_357 : i32
        %add3A_359 = arith.constant 112 : i32
        %add3A_360 = arith.addi %mul3A_358, %add3A_359 : i32
        %get3A_361 = arith.index_cast %add3A_360 : i32 to index
        %get3A_362 = tpu.vector_load %arg8[%get3A_361] {strides = array<i32>} : memref<8192xf32, #tpu.memory_space<vmem>>, vector<16xf32>,
        %get3A_363 = vector.shape_cast %get3A_362 : vector<16xf32> to vector<16xf32>
        %abs3A_364 = math.absf %get3A_363 : vector<16xf32>
        %lt3A_365 = arith.cmpf olt, %abs3A_364, %scan3A_272 : vector<16xf32>
        %min3A_366 = arith.minimumf %abs3A_364, %scan3A_272 : vector<16xf32>
        %select_n3A_367 = arith.select %lt3A_365, %broadcast_in_dim3A_282, %scan3A_280 : vector<16xi1>, vector<16xi32>
        scf.yield %min3A, %min3A_300, %min3A_311, %min3A_322, %min3A_333, %min3A_344, %min3A_355, %min3A_366, %select_n3A_290, %select_n3A_301, %select_n3A_312, %select_n3A_323, %select_n3A_334, %select_n3A_345, %select_n3A_356, %select_n3A_367 : vector<16xf32>, vector<16xf32>, vector<16xf32>, vector<16xf32>, vector<16xf32>, vector<16xf32>, vector<16xf32>, vector<16xf32>, vector<16xi32>, vector<16xi32>, vector<16xi32>, vector<16xi32>, vector<16xi32>, vector<16xi32>, vector<16xi32>, vector<16xi32>
      }
      %scan3A_258 = arith.constant 64 : i32
      %lt3A_259 = arith.constant 18 : i32
      %lt3A_260 = arith.cmpi slt, %scan3A_174, %lt3A_259 : i32
      %convert_element_type3A_261 = arith.extui %lt3A_260 : i1 to i32
      %cond3A_262 = arith.constant 0 : i32
      %cond3A_263 = arith.cmpi ne, %convert_element_type3A_261, %cond3A_262 : i32
      scf.if %cond3A_263 {
        %add3A_264 = arith.constant 4 : i32
        %add3A_265 = arith.addi %add3A_248, %add3A_264 : i32
        %mul3A_266 = arith.constant 8192 : i32
        %mul3A_267 = arith.muli %add3A_265, %mul3A_266 : i32
        %add3A_268 = arith.addi %mul3A_2, %mul3A_267 : i32
        %dma_start3A_269 = tpu.memref_slice %arg2[%add3A_268] : memref<33554432xf32, #tpu.memory_space<hbm>> -> memref<8192xf32, #tpu.memory_space<hbm>>
        %dma_start3A_270 = tpu.memref_slice %arg2[%add3A_268] : memref<33554432xf32, #tpu.memory_space<hbm>> -> memref<8192xf32, #tpu.memory_space<hbm>>
        tpu.enqueue_dma source(%dma_start3A_270 : memref<8192xf32, #tpu.memory_space<hbm>>) target(%arg8 : memref<8192xf32, #tpu.memory_space<vmem>>) target_semaphore(%arg14 : memref<!tpu.dma_semaphore, #tpu.memory_space<semaphore_mem>>)
      } else {
      }
      scf.yield %scan3A_257#0, %scan3A_257#1, %scan3A_257#2, %scan3A_257#3, %scan3A_257#4, %scan3A_257#5, %scan3A_257#6, %scan3A_257#7, %scan3A_257#8, %scan3A_257#9, %scan3A_257#10, %scan3A_257#11, %scan3A_257#12, %scan3A_257#13, %scan3A_257#14, %scan3A_257#15 : vector<16xf32>, vector<16xf32>, vector<16xf32>, vector<16xf32>, vector<16xf32>, vector<16xf32>, vector<16xf32>, vector<16xf32>, vector<16xi32>, vector<16xi32>, vector<16xi32>, vector<16xi32>, vector<16xi32>, vector<16xi32>, vector<16xi32>, vector<16xi32>
    }
    %scan3A_53 = arith.constant 19 : i32
    %mul3A_54 = arith.constant 128 : i32
    %mul3A_55 = vector.broadcast %mul3A_54 : i32 to vector<16xi32>
    %mul3A_56 = arith.muli %scan3A_52#8, %mul3A_55 : vector<16xi32>
    %add3A_57 = vector.broadcast %mul3A_2 : i32 to vector<16xi32>
    %add3A_58 = arith.addi %add3A_57, %mul3A_56 : vector<16xi32>
    %add3A_59 = arith.addi %add3A_58, %iota3A : vector<16xi32>
    %mul3A_60 = arith.constant 128 : i32
    %mul3A_61 = vector.broadcast %mul3A_60 : i32 to vector<16xi32>
    %mul3A_62 = arith.muli %scan3A_52#9, %mul3A_61 : vector<16xi32>
    %add3A_63 = vector.broadcast %mul3A_2 : i32 to vector<16xi32>
    %add3A_64 = arith.addi %add3A_63, %mul3A_62 : vector<16xi32>
    %add3A_65 = arith.constant 16 : i32
    %add3A_66 = vector.broadcast %add3A_65 : i32 to vector<16xi32>
    %add3A_67 = arith.addi %add3A_64, %add3A_66 : vector<16xi32>
    %add3A_68 = arith.addi %add3A_67, %iota3A : vector<16xi32>
    %lt3A = arith.cmpf olt, %scan3A_52#1, %scan3A_52#0 : vector<16xf32>
    %eq3A = arith.cmpf oeq, %scan3A_52#1, %scan3A_52#0 : vector<16xf32>
    %lt3A_69 = arith.cmpi slt, %add3A_68, %add3A_59 : vector<16xi32>
    %and3A = arith.andi %eq3A, %lt3A_69 : vector<16xi1>
    %or3A = arith.ori %lt3A, %and3A : vector<16xi1>
    %select_n3A = arith.select %or3A, %scan3A_52#1, %scan3A_52#0 : vector<16xi1>, vector<16xf32>
    %select_n3A_70 = arith.select %or3A, %add3A_68, %add3A_59 : vector<16xi1>, vector<16xi32>
    %mul3A_71 = arith.constant 128 : i32
    %mul3A_72 = vector.broadcast %mul3A_71 : i32 to vector<16xi32>
    %mul3A_73 = arith.muli %scan3A_52#10, %mul3A_72 : vector<16xi32>
    %add3A_74 = vector.broadcast %mul3A_2 : i32 to vector<16xi32>
    %add3A_75 = arith.addi %add3A_74, %mul3A_73 : vector<16xi32>
    %add3A_76 = arith.constant 32 : i32
    %add3A_77 = vector.broadcast %add3A_76 : i32 to vector<16xi32>
    %add3A_78 = arith.addi %add3A_75, %add3A_77 : vector<16xi32>
    %add3A_79 = arith.addi %add3A_78, %iota3A : vector<16xi32>
    %lt3A_80 = arith.cmpf olt, %scan3A_52#2, %select_n3A : vector<16xf32>
    %eq3A_81 = arith.cmpf oeq, %scan3A_52#2, %select_n3A : vector<16xf32>
    %lt3A_82 = arith.cmpi slt, %add3A_79, %select_n3A_70 : vector<16xi32>
    %and3A_83 = arith.andi %eq3A_81, %lt3A_82 : vector<16xi1>
    %or3A_84 = arith.ori %lt3A_80, %and3A_83 : vector<16xi1>
    %select_n3A_85 = arith.select %or3A_84, %scan3A_52#2, %select_n3A : vector<16xi1>, vector<16xf32>
    %select_n3A_86 = arith.select %or3A_84, %add3A_79, %select_n3A_70 : vector<16xi1>, vector<16xi32>
    %mul3A_87 = arith.constant 128 : i32
    %mul3A_88 = vector.broadcast %mul3A_87 : i32 to vector<16xi32>
    %mul3A_89 = arith.muli %scan3A_52#11, %mul3A_88 : vector<16xi32>
    %add3A_90 = vector.broadcast %mul3A_2 : i32 to vector<16xi32>
    %add3A_91 = arith.addi %add3A_90, %mul3A_89 : vector<16xi32>
    %add3A_92 = arith.constant 48 : i32
    %add3A_93 = vector.broadcast %add3A_92 : i32 to vector<16xi32>
    %add3A_94 = arith.addi %add3A_91, %add3A_93 : vector<16xi32>
    %add3A_95 = arith.addi %add3A_94, %iota3A : vector<16xi32>
    %lt3A_96 = arith.cmpf olt, %scan3A_52#3, %select_n3A_85 : vector<16xf32>
    %eq3A_97 = arith.cmpf oeq, %scan3A_52#3, %select_n3A_85 : vector<16xf32>
    %lt3A_98 = arith.cmpi slt, %add3A_95, %select_n3A_86 : vector<16xi32>
    %and3A_99 = arith.andi %eq3A_97, %lt3A_98 : vector<16xi1>
    %or3A_100 = arith.ori %lt3A_96, %and3A_99 : vector<16xi1>
    %select_n3A_101 = arith.select %or3A_100, %scan3A_52#3, %select_n3A_85 : vector<16xi1>, vector<16xf32>
    %select_n3A_102 = arith.select %or3A_100, %add3A_95, %select_n3A_86 : vector<16xi1>, vector<16xi32>
    %mul3A_103 = arith.constant 128 : i32
    %mul3A_104 = vector.broadcast %mul3A_103 : i32 to vector<16xi32>
    %mul3A_105 = arith.muli %scan3A_52#12, %mul3A_104 : vector<16xi32>
    %add3A_106 = vector.broadcast %mul3A_2 : i32 to vector<16xi32>
    %add3A_107 = arith.addi %add3A_106, %mul3A_105 : vector<16xi32>
    %add3A_108 = arith.constant 64 : i32
    %add3A_109 = vector.broadcast %add3A_108 : i32 to vector<16xi32>
    %add3A_110 = arith.addi %add3A_107, %add3A_109 : vector<16xi32>
    %add3A_111 = arith.addi %add3A_110, %iota3A : vector<16xi32>
    %lt3A_112 = arith.cmpf olt, %scan3A_52#4, %select_n3A_101 : vector<16xf32>
    %eq3A_113 = arith.cmpf oeq, %scan3A_52#4, %select_n3A_101 : vector<16xf32>
    %lt3A_114 = arith.cmpi slt, %add3A_111, %select_n3A_102 : vector<16xi32>
    %and3A_115 = arith.andi %eq3A_113, %lt3A_114 : vector<16xi1>
    %or3A_116 = arith.ori %lt3A_112, %and3A_115 : vector<16xi1>
    %select_n3A_117 = arith.select %or3A_116, %scan3A_52#4, %select_n3A_101 : vector<16xi1>, vector<16xf32>
    %select_n3A_118 = arith.select %or3A_116, %add3A_111, %select_n3A_102 : vector<16xi1>, vector<16xi32>
    %mul3A_119 = arith.constant 128 : i32
    %mul3A_120 = vector.broadcast %mul3A_119 : i32 to vector<16xi32>
    %mul3A_121 = arith.muli %scan3A_52#13, %mul3A_120 : vector<16xi32>
    %add3A_122 = vector.broadcast %mul3A_2 : i32 to vector<16xi32>
    %add3A_123 = arith.addi %add3A_122, %mul3A_121 : vector<16xi32>
    %add3A_124 = arith.constant 80 : i32
    %add3A_125 = vector.broadcast %add3A_124 : i32 to vector<16xi32>
    %add3A_126 = arith.addi %add3A_123, %add3A_125 : vector<16xi32>
    %add3A_127 = arith.addi %add3A_126, %iota3A : vector<16xi32>
    %lt3A_128 = arith.cmpf olt, %scan3A_52#5, %select_n3A_117 : vector<16xf32>
    %eq3A_129 = arith.cmpf oeq, %scan3A_52#5, %select_n3A_117 : vector<16xf32>
    %lt3A_130 = arith.cmpi slt, %add3A_127, %select_n3A_118 : vector<16xi32>
    %and3A_131 = arith.andi %eq3A_129, %lt3A_130 : vector<16xi1>
    %or3A_132 = arith.ori %lt3A_128, %and3A_131 : vector<16xi1>
    %select_n3A_133 = arith.select %or3A_132, %scan3A_52#5, %select_n3A_117 : vector<16xi1>, vector<16xf32>
    %select_n3A_134 = arith.select %or3A_132, %add3A_127, %select_n3A_118 : vector<16xi1>, vector<16xi32>
    %mul3A_135 = arith.constant 128 : i32
    %mul3A_136 = vector.broadcast %mul3A_135 : i32 to vector<16xi32>
    %mul3A_137 = arith.muli %scan3A_52#14, %mul3A_136 : vector<16xi32>
    %add3A_138 = vector.broadcast %mul3A_2 : i32 to vector<16xi32>
    %add3A_139 = arith.addi %add3A_138, %mul3A_137 : vector<16xi32>
    %add3A_140 = arith.constant 96 : i32
    %add3A_141 = vector.broadcast %add3A_140 : i32 to vector<16xi32>
    %add3A_142 = arith.addi %add3A_139, %add3A_141 : vector<16xi32>
    %add3A_143 = arith.addi %add3A_142, %iota3A : vector<16xi32>
    %lt3A_144 = arith.cmpf olt, %scan3A_52#6, %select_n3A_133 : vector<16xf32>
    %eq3A_145 = arith.cmpf oeq, %scan3A_52#6, %select_n3A_133 : vector<16xf32>
    %lt3A_146 = arith.cmpi slt, %add3A_143, %select_n3A_134 : vector<16xi32>
    %and3A_147 = arith.andi %eq3A_145, %lt3A_146 : vector<16xi1>
    %or3A_148 = arith.ori %lt3A_144, %and3A_147 : vector<16xi1>
    %select_n3A_149 = arith.select %or3A_148, %scan3A_52#6, %select_n3A_133 : vector<16xi1>, vector<16xf32>
    %select_n3A_150 = arith.select %or3A_148, %add3A_143, %select_n3A_134 : vector<16xi1>, vector<16xi32>
    %mul3A_151 = arith.constant 128 : i32
    %mul3A_152 = vector.broadcast %mul3A_151 : i32 to vector<16xi32>
    %mul3A_153 = arith.muli %scan3A_52#15, %mul3A_152 : vector<16xi32>
    %add3A_154 = vector.broadcast %mul3A_2 : i32 to vector<16xi32>
    %add3A_155 = arith.addi %add3A_154, %mul3A_153 : vector<16xi32>
    %add3A_156 = arith.constant 112 : i32
    %add3A_157 = vector.broadcast %add3A_156 : i32 to vector<16xi32>
    %add3A_158 = arith.addi %add3A_155, %add3A_157 : vector<16xi32>
    %add3A_159 = arith.addi %add3A_158, %iota3A : vector<16xi32>
    %lt3A_160 = arith.cmpf olt, %scan3A_52#7, %select_n3A_149 : vector<16xf32>
    %eq3A_161 = arith.cmpf oeq, %scan3A_52#7, %select_n3A_149 : vector<16xf32>
    %lt3A_162 = arith.cmpi slt, %add3A_159, %select_n3A_150 : vector<16xi32>
    %and3A_163 = arith.andi %eq3A_161, %lt3A_162 : vector<16xi1>
    %or3A_164 = arith.ori %lt3A_160, %and3A_163 : vector<16xi1>
    %select_n3A_165 = arith.select %or3A_164, %scan3A_52#7, %select_n3A_149 : vector<16xi1>, vector<16xf32>
    %select_n3A_166 = arith.select %or3A_164, %add3A_159, %select_n3A_150 : vector<16xi1>, vector<16xi32>
    %swap3A = arith.constant 0 : index
    %swap3A_167 = tpu.vector_load %arg9[%swap3A] {strides = array<i32>} : memref<16xf32, #tpu.memory_space<vmem>>, vector<16xf32>,
    %swap3A_168 = vector.shape_cast %swap3A_167 : vector<16xf32> to vector<16xf32>
    %swap3A_169 = vector.shape_cast %select_n3A_165 : vector<16xf32> to vector<16xf32>
    tpu.vector_store %arg9[%swap3A], %swap3A_169 {strides = array<i32>} : memref<16xf32, #tpu.memory_space<vmem>>, vector<16xf32>,
    %swap3A_170 = arith.constant 0 : index
    %swap3A_171 = tpu.vector_load %arg10[%swap3A_170] {strides = array<i32>} : memref<16xi32, #tpu.memory_space<vmem>>, vector<16xi32>,
    %swap3A_172 = vector.shape_cast %swap3A_171 : vector<16xi32> to vector<16xi32>
    %swap3A_173 = vector.shape_cast %select_n3A_166 : vector<16xi32> to vector<16xi32>
    tpu.vector_store %arg10[%swap3A_170], %swap3A_173 {strides = array<i32>} : memref<16xi32, #tpu.memory_space<vmem>>, vector<16xi32>,
    "tpu.region"() ({
      %run_scoped3A = tpu.sem_alloc : memref<!tpu.dma_semaphore, #tpu.memory_space<semaphore_mem>>
      %dma_start3A_174 = arith.constant 0 : i32
      %dma_start3A_175 = tpu.memref_slice %arg3[%add3A, %dma_start3A_174] : memref<32x16xf32, #tpu.memory_space<hbm>> -> memref<1x16xf32, #tpu.memory_space<hbm>>
      %dma_start3A_176 = tpu.memref_squeeze %dma_start3A_175 : memref<1x16xf32, #tpu.memory_space<hbm>> -> memref<16xf32, #tpu.memory_space<hbm>>
      %dma_start3A_177 = arith.constant 0 : i32
      %dma_start3A_178 = tpu.memref_slice %arg3[%add3A, %dma_start3A_177] : memref<32x16xf32, #tpu.memory_space<hbm>> -> memref<1x16xf32, #tpu.memory_space<hbm>>
      %dma_start3A_179 = tpu.memref_squeeze %dma_start3A_178 : memref<1x16xf32, #tpu.memory_space<hbm>> -> memref<16xf32, #tpu.memory_space<hbm>>
      tpu.enqueue_dma source(%arg9 : memref<16xf32, #tpu.memory_space<vmem>>) target(%dma_start3A_179 : memref<16xf32, #tpu.memory_space<hbm>>) target_semaphore(%run_scoped3A : memref<!tpu.dma_semaphore, #tpu.memory_space<semaphore_mem>>)
      %dma_wait3A = arith.constant 0 : i32
      %dma_wait3A_180 = tpu.memref_slice %arg3[%add3A, %dma_wait3A] : memref<32x16xf32, #tpu.memory_space<hbm>> -> memref<1x16xf32, #tpu.memory_space<hbm>>
      %dma_wait3A_181 = tpu.memref_squeeze %dma_wait3A_180 : memref<1x16xf32, #tpu.memory_space<hbm>> -> memref<16xf32, #tpu.memory_space<hbm>>
      %dma_wait3A_182 = arith.constant 0 : i32
      %dma_wait3A_183 = tpu.memref_slice %arg3[%add3A, %dma_wait3A_182] : memref<32x16xf32, #tpu.memory_space<hbm>> -> memref<1x16xf32, #tpu.memory_space<hbm>>
      %dma_wait3A_184 = tpu.memref_squeeze %dma_wait3A_183 : memref<1x16xf32, #tpu.memory_space<hbm>> -> memref<16xf32, #tpu.memory_space<hbm>>
      tpu.wait_dma2 semaphore(%run_scoped3A : memref<!tpu.dma_semaphore, #tpu.memory_space<semaphore_mem>>) src(%arg9 : memref<16xf32, #tpu.memory_space<vmem>>) dst(%dma_wait3A_184 : memref<16xf32, #tpu.memory_space<hbm>>)
      tpu.yield
    }) : () -> ()
    "tpu.region"() ({
      %run_scoped3A = tpu.sem_alloc : memref<!tpu.dma_semaphore, #tpu.memory_space<semaphore_mem>>
      %dma_start3A_174 = arith.constant 0 : i32
      %dma_start3A_175 = tpu.memref_slice %arg4[%add3A, %dma_start3A_174] : memref<32x16xi32, #tpu.memory_space<hbm>> -> memref<1x16xi32, #tpu.memory_space<hbm>>
      %dma_start3A_176 = tpu.memref_squeeze %dma_start3A_175 : memref<1x16xi32, #tpu.memory_space<hbm>> -> memref<16xi32, #tpu.memory_space<hbm>>
      %dma_start3A_177 = arith.constant 0 : i32
      %dma_start3A_178 = tpu.memref_slice %arg4[%add3A, %dma_start3A_177] : memref<32x16xi32, #tpu.memory_space<hbm>> -> memref<1x16xi32, #tpu.memory_space<hbm>>
      %dma_start3A_179 = tpu.memref_squeeze %dma_start3A_178 : memref<1x16xi32, #tpu.memory_space<hbm>> -> memref<16xi32, #tpu.memory_space<hbm>>
      tpu.enqueue_dma source(%arg10 : memref<16xi32, #tpu.memory_space<vmem>>) target(%dma_start3A_179 : memref<16xi32, #tpu.memory_space<hbm>>) target_semaphore(%run_scoped3A : memref<!tpu.dma_semaphore, #tpu.memory_space<semaphore_mem>>)
      %dma_wait3A = arith.constant 0 : i32
      %dma_wait3A_180 = tpu.memref_slice %arg4[%add3A, %dma_wait3A] : memref<32x16xi32, #tpu.memory_space<hbm>> -> memref<1x16xi32, #tpu.memory_space<hbm>>
      %dma_wait3A_181 = tpu.memref_squeeze %dma_wait3A_180 : memref<1x16xi32, #tpu.memory_space<hbm>> -> memref<16xi32, #tpu.memory_space<hbm>>
      %dma_wait3A_182 = arith.constant 0 : i32
      %dma_wait3A_183 = tpu.memref_slice %arg4[%add3A, %dma_wait3A_182] : memref<32x16xi32, #tpu.memory_space<hbm>> -> memref<1x16xi32, #tpu.memory_space<hbm>>
      %dma_wait3A_184 = tpu.memref_squeeze %dma_wait3A_183 : memref<1x16xi32, #tpu.memory_space<hbm>> -> memref<16xi32, #tpu.memory_space<hbm>>
      tpu.wait_dma2 semaphore(%run_scoped3A : memref<!tpu.dma_semaphore, #tpu.memory_space<semaphore_mem>>) src(%arg10 : memref<16xi32, #tpu.memory_space<vmem>>) dst(%dma_wait3A_184 : memref<16xi32, #tpu.memory_space<hbm>>)
      tpu.yield
    }) : () -> ()
    return
  }
}

module attributes {stable_mosaic.version = 14 : i64} {
  func.func @_merge_body(%arg0: memref<32x16xf32, #tpu.memory_space<vmem>>, %arg1: memref<32x16xi32, #tpu.memory_space<vmem>>, %arg2: memref<1x1xf32, #tpu.memory_space<vmem>>, %arg3: memref<1x1xi32, #tpu.memory_space<vmem>>, %arg4: memref<1x1xi32, #tpu.memory_space<vmem>>) attributes {dimension_semantics = [], scalar_prefetch = 0 : i64, scratch_operands = 0 : i64, tpu.core_type = #tpu.core_type<tc>} {
    %get3A = arith.constant 0 : index
    %get3A_0 = arith.constant 0 : index
    %get3A_1 = vector.load %arg0[%get3A, %get3A_0] : memref<32x16xf32, #tpu.memory_space<vmem>>, vector<32x16xf32>
    %get3A_2 = arith.constant 0 : index
    %get3A_3 = arith.constant 0 : index
    %get3A_4 = vector.load %arg1[%get3A_2, %get3A_3] : memref<32x16xi32, #tpu.memory_space<vmem>>, vector<32x16xi32>
    %get3A_5 = arith.constant 0 : index
    %get3A_6 = arith.constant 0 : index
    %get3A_7 = vector.load %arg2[%get3A_5, %get3A_6] : memref<1x1xf32, #tpu.memory_space<vmem>>, vector<1x1xf32>
    %get3A_8 = vector.extract %get3A_7[0, 0] : f32 from vector<1x1xf32>
    %get3A_9 = arith.constant 0 : index
    %get3A_10 = arith.constant 0 : index
    %get3A_11 = vector.load %arg3[%get3A_9, %get3A_10] : memref<1x1xi32, #tpu.memory_space<vmem>>, vector<1x1xi32>
    %get3A_12 = vector.extract %get3A_11[0, 0] : i32 from vector<1x1xi32>
    %iota3A = tpu.iota {dimensions = array<i32: 1>} : vector<32x16xi32>
    %and3A = arith.constant 1 : i32
    %and3A_13 = vector.broadcast %and3A : i32 to vector<32x16xi32>
    %and3A_14 = arith.andi %iota3A, %and3A_13 : vector<32x16xi32>
    %eq3A = arith.constant 0 : i32
    %eq3A_15 = vector.broadcast %eq3A : i32 to vector<32x16xi32>
    %eq3A_16 = arith.cmpi eq, %and3A_14, %eq3A_15 : vector<32x16xi32>
    %jit3A = arith.constant 0x7F800000 : f32
    %broadcast_in_dim3A = vector.broadcast %jit3A : f32 to vector<32x16xf32>
    %select_n3A = arith.select %eq3A_16, %get3A_1, %broadcast_in_dim3A : vector<32x16xi1>, vector<32x16xf32>
    %reduce_min3A = vector.shape_cast %select_n3A : vector<32x16xf32> to vector<1x32x16xf32>
    %reduce_min3A_17 = arith.constant dense<0x7F800000> : vector<1xf32>
    %reduce_min3A_18 = vector.multi_reduction <minimumf>, %reduce_min3A, %reduce_min3A_17 [1, 2] : vector<1x32x16xf32> to vector<1xf32>
    %reduce_min3A_19 = vector.shape_cast %reduce_min3A_18 : vector<1xf32> to vector<1x1x1xf32>
    %reduce_min3A_20 = vector.extract %reduce_min3A_19[0, 0, 0] : f32 from vector<1x1x1xf32>
    %min3A = arith.minimumf %reduce_min3A_20, %get3A_8 : f32
    %eq3A_21 = vector.broadcast %min3A : f32 to vector<32x16xf32>
    %eq3A_22 = arith.cmpf oeq, %select_n3A, %eq3A_21 : vector<32x16xf32>
    %jit3A_23 = arith.constant 2147483647 : i32
    %broadcast_in_dim3A_24 = vector.broadcast %jit3A_23 : i32 to vector<32x16xi32>
    %select_n3A_25 = arith.select %eq3A_22, %get3A_4, %broadcast_in_dim3A_24 : vector<32x16xi1>, vector<32x16xi32>
    %reduce_min3A_26 = vector.shape_cast %select_n3A_25 : vector<32x16xi32> to vector<1x32x16xi32>
    %reduce_min3A_27 = arith.constant dense<2147483647> : vector<1xi32>
    %reduce_min3A_28 = vector.multi_reduction <minsi>, %reduce_min3A_26, %reduce_min3A_27 [1, 2] : vector<1x32x16xi32> to vector<1xi32>
    %reduce_min3A_29 = vector.shape_cast %reduce_min3A_28 : vector<1xi32> to vector<1x1x1xi32>
    %reduce_min3A_30 = vector.extract %reduce_min3A_29[0, 0, 0] : i32 from vector<1x1x1xi32>
    %eq3A_31 = arith.cmpf oeq, %get3A_8, %min3A : f32
    %jit3A_32 = arith.constant 2147483647 : i32
    %select_n3A_33 = arith.select %eq3A_31, %get3A_12, %jit3A_32 : i32
    %min3A_34 = arith.minsi %reduce_min3A_30, %select_n3A_33 : i32
    %shift_right_arithmetic3A = arith.constant 1 : i32
    %shift_right_arithmetic3A_35 = arith.shrsi %min3A_34, %shift_right_arithmetic3A : i32
    %add3A = arith.constant 1 : i32
    %add3A_36 = arith.addi %shift_right_arithmetic3A_35, %add3A : i32
    %reshape3A = vector.broadcast %add3A_36 : i32 to vector<1x1xi32>
    %swap3A = arith.constant 0 : index
    %swap3A_37 = arith.constant 0 : index
    %swap3A_38 = vector.load %arg4[%swap3A, %swap3A_37] : memref<1x1xi32, #tpu.memory_space<vmem>>, vector<1x1xi32>
    tpu.vector_store %arg4[%swap3A, %swap3A_37], %reshape3A {strides = array<i32>} : memref<1x1xi32, #tpu.memory_space<vmem>>, vector<1x1xi32>,
    return
  }
}

module attributes {stable_mosaic.version = 14 : i64} {
  func.func @_tc_body(%arg0: i32, %arg1: memref<4096x128xf32, #tpu.memory_space<vmem>>, %arg2: memref<1x1xf32, #tpu.memory_space<vmem>>, %arg3: memref<1x1xi32, #tpu.memory_space<vmem>>, %arg4: memref<8x128xf32, #tpu.memory_space<vmem>>, %arg5: memref<8x128xf32, #tpu.memory_space<vmem>>, %arg6: memref<8x128xf32, #tpu.memory_space<vmem>>, %arg7: memref<8x128xf32, #tpu.memory_space<vmem>>, %arg8: memref<8x128xf32, #tpu.memory_space<vmem>>, %arg9: memref<8x128xf32, #tpu.memory_space<vmem>>, %arg10: memref<8x128xf32, #tpu.memory_space<vmem>>, %arg11: memref<8x128xf32, #tpu.memory_space<vmem>>, %arg12: memref<8x128xi32, #tpu.memory_space<vmem>>, %arg13: memref<8x128xi32, #tpu.memory_space<vmem>>, %arg14: memref<8x128xi32, #tpu.memory_space<vmem>>, %arg15: memref<8x128xi32, #tpu.memory_space<vmem>>, %arg16: memref<8x128xi32, #tpu.memory_space<vmem>>, %arg17: memref<8x128xi32, #tpu.memory_space<vmem>>, %arg18: memref<8x128xi32, #tpu.memory_space<vmem>>, %arg19: memref<8x128xi32, #tpu.memory_space<vmem>>) attributes {dimension_semantics = [#tpu.dimension_semantics<arbitrary>], iteration_bounds = array<i64: 26>, scalar_prefetch = 0 : i64, scratch_operands = 16 : i64, tpu.core_type = #tpu.core_type<tc>, window_params = [{transform_indices = @transform_0, window_bounds = array<i64: 4096, 128>}, {pipeline_mode = #tpu.pipeline_mode<synchronous>, transform_indices = @transform_1, window_bounds = array<i64: 1, 1>}, {pipeline_mode = #tpu.pipeline_mode<synchronous>, transform_indices = @transform_2, window_bounds = array<i64: 1, 1>}]} {
    %eq3A = arith.constant 0 : i32
    %eq3A_0 = arith.cmpi eq, %arg0, %eq3A : i32
    %convert_element_type3A = arith.extui %eq3A_0 : i1 to i32
    %cond3A = arith.constant 0 : i32
    %cond3A_1 = arith.cmpi ne, %convert_element_type3A, %cond3A : i32
    scf.if %cond3A_1 {
      %broadcast_in_dim3A = arith.constant 0x7F800000 : f32
      %broadcast_in_dim3A_106 = vector.broadcast %broadcast_in_dim3A : f32 to vector<8x128xf32>
      %swap3A_107 = arith.constant 0 : index
      %swap3A_108 = arith.constant 0 : index
      %swap3A_109 = vector.load %arg4[%swap3A_107, %swap3A_108] : memref<8x128xf32, #tpu.memory_space<vmem>>, vector<8x128xf32>
      tpu.vector_store %arg4[%swap3A_107, %swap3A_108], %broadcast_in_dim3A_106 {strides = array<i32>} : memref<8x128xf32, #tpu.memory_space<vmem>>, vector<8x128xf32>,
      %broadcast_in_dim3A_110 = arith.constant 0 : i32
      %broadcast_in_dim3A_111 = vector.broadcast %broadcast_in_dim3A_110 : i32 to vector<8x128xi32>
      %swap3A_112 = arith.constant 0 : index
      %swap3A_113 = arith.constant 0 : index
      %swap3A_114 = vector.load %arg12[%swap3A_112, %swap3A_113] : memref<8x128xi32, #tpu.memory_space<vmem>>, vector<8x128xi32>
      tpu.vector_store %arg12[%swap3A_112, %swap3A_113], %broadcast_in_dim3A_111 {strides = array<i32>} : memref<8x128xi32, #tpu.memory_space<vmem>>, vector<8x128xi32>,
      %broadcast_in_dim3A_115 = arith.constant 0x7F800000 : f32
      %broadcast_in_dim3A_116 = vector.broadcast %broadcast_in_dim3A_115 : f32 to vector<8x128xf32>
      %swap3A_117 = arith.constant 0 : index
      %swap3A_118 = arith.constant 0 : index
      %swap3A_119 = vector.load %arg5[%swap3A_117, %swap3A_118] : memref<8x128xf32, #tpu.memory_space<vmem>>, vector<8x128xf32>
      tpu.vector_store %arg5[%swap3A_117, %swap3A_118], %broadcast_in_dim3A_116 {strides = array<i32>} : memref<8x128xf32, #tpu.memory_space<vmem>>, vector<8x128xf32>,
      %broadcast_in_dim3A_120 = arith.constant 0 : i32
      %broadcast_in_dim3A_121 = vector.broadcast %broadcast_in_dim3A_120 : i32 to vector<8x128xi32>
      %swap3A_122 = arith.constant 0 : index
      %swap3A_123 = arith.constant 0 : index
      %swap3A_124 = vector.load %arg13[%swap3A_122, %swap3A_123] : memref<8x128xi32, #tpu.memory_space<vmem>>, vector<8x128xi32>
      tpu.vector_store %arg13[%swap3A_122, %swap3A_123], %broadcast_in_dim3A_121 {strides = array<i32>} : memref<8x128xi32, #tpu.memory_space<vmem>>, vector<8x128xi32>,
      %broadcast_in_dim3A_125 = arith.constant 0x7F800000 : f32
      %broadcast_in_dim3A_126 = vector.broadcast %broadcast_in_dim3A_125 : f32 to vector<8x128xf32>
      %swap3A_127 = arith.constant 0 : index
      %swap3A_128 = arith.constant 0 : index
      %swap3A_129 = vector.load %arg6[%swap3A_127, %swap3A_128] : memref<8x128xf32, #tpu.memory_space<vmem>>, vector<8x128xf32>
      tpu.vector_store %arg6[%swap3A_127, %swap3A_128], %broadcast_in_dim3A_126 {strides = array<i32>} : memref<8x128xf32, #tpu.memory_space<vmem>>, vector<8x128xf32>,
      %broadcast_in_dim3A_130 = arith.constant 0 : i32
      %broadcast_in_dim3A_131 = vector.broadcast %broadcast_in_dim3A_130 : i32 to vector<8x128xi32>
      %swap3A_132 = arith.constant 0 : index
      %swap3A_133 = arith.constant 0 : index
      %swap3A_134 = vector.load %arg14[%swap3A_132, %swap3A_133] : memref<8x128xi32, #tpu.memory_space<vmem>>, vector<8x128xi32>
      tpu.vector_store %arg14[%swap3A_132, %swap3A_133], %broadcast_in_dim3A_131 {strides = array<i32>} : memref<8x128xi32, #tpu.memory_space<vmem>>, vector<8x128xi32>,
      %broadcast_in_dim3A_135 = arith.constant 0x7F800000 : f32
      %broadcast_in_dim3A_136 = vector.broadcast %broadcast_in_dim3A_135 : f32 to vector<8x128xf32>
      %swap3A_137 = arith.constant 0 : index
      %swap3A_138 = arith.constant 0 : index
      %swap3A_139 = vector.load %arg7[%swap3A_137, %swap3A_138] : memref<8x128xf32, #tpu.memory_space<vmem>>, vector<8x128xf32>
      tpu.vector_store %arg7[%swap3A_137, %swap3A_138], %broadcast_in_dim3A_136 {strides = array<i32>} : memref<8x128xf32, #tpu.memory_space<vmem>>, vector<8x128xf32>,
      %broadcast_in_dim3A_140 = arith.constant 0 : i32
      %broadcast_in_dim3A_141 = vector.broadcast %broadcast_in_dim3A_140 : i32 to vector<8x128xi32>
      %swap3A_142 = arith.constant 0 : index
      %swap3A_143 = arith.constant 0 : index
      %swap3A_144 = vector.load %arg15[%swap3A_142, %swap3A_143] : memref<8x128xi32, #tpu.memory_space<vmem>>, vector<8x128xi32>
      tpu.vector_store %arg15[%swap3A_142, %swap3A_143], %broadcast_in_dim3A_141 {strides = array<i32>} : memref<8x128xi32, #tpu.memory_space<vmem>>, vector<8x128xi32>,
      %broadcast_in_dim3A_145 = arith.constant 0x7F800000 : f32
      %broadcast_in_dim3A_146 = vector.broadcast %broadcast_in_dim3A_145 : f32 to vector<8x128xf32>
      %swap3A_147 = arith.constant 0 : index
      %swap3A_148 = arith.constant 0 : index
      %swap3A_149 = vector.load %arg8[%swap3A_147, %swap3A_148] : memref<8x128xf32, #tpu.memory_space<vmem>>, vector<8x128xf32>
      tpu.vector_store %arg8[%swap3A_147, %swap3A_148], %broadcast_in_dim3A_146 {strides = array<i32>} : memref<8x128xf32, #tpu.memory_space<vmem>>, vector<8x128xf32>,
      %broadcast_in_dim3A_150 = arith.constant 0 : i32
      %broadcast_in_dim3A_151 = vector.broadcast %broadcast_in_dim3A_150 : i32 to vector<8x128xi32>
      %swap3A_152 = arith.constant 0 : index
      %swap3A_153 = arith.constant 0 : index
      %swap3A_154 = vector.load %arg16[%swap3A_152, %swap3A_153] : memref<8x128xi32, #tpu.memory_space<vmem>>, vector<8x128xi32>
      tpu.vector_store %arg16[%swap3A_152, %swap3A_153], %broadcast_in_dim3A_151 {strides = array<i32>} : memref<8x128xi32, #tpu.memory_space<vmem>>, vector<8x128xi32>,
      %broadcast_in_dim3A_155 = arith.constant 0x7F800000 : f32
      %broadcast_in_dim3A_156 = vector.broadcast %broadcast_in_dim3A_155 : f32 to vector<8x128xf32>
      %swap3A_157 = arith.constant 0 : index
      %swap3A_158 = arith.constant 0 : index
      %swap3A_159 = vector.load %arg9[%swap3A_157, %swap3A_158] : memref<8x128xf32, #tpu.memory_space<vmem>>, vector<8x128xf32>
      tpu.vector_store %arg9[%swap3A_157, %swap3A_158], %broadcast_in_dim3A_156 {strides = array<i32>} : memref<8x128xf32, #tpu.memory_space<vmem>>, vector<8x128xf32>,
      %broadcast_in_dim3A_160 = arith.constant 0 : i32
      %broadcast_in_dim3A_161 = vector.broadcast %broadcast_in_dim3A_160 : i32 to vector<8x128xi32>
      %swap3A_162 = arith.constant 0 : index
      %swap3A_163 = arith.constant 0 : index
      %swap3A_164 = vector.load %arg17[%swap3A_162, %swap3A_163] : memref<8x128xi32, #tpu.memory_space<vmem>>, vector<8x128xi32>
      tpu.vector_store %arg17[%swap3A_162, %swap3A_163], %broadcast_in_dim3A_161 {strides = array<i32>} : memref<8x128xi32, #tpu.memory_space<vmem>>, vector<8x128xi32>,
      %broadcast_in_dim3A_165 = arith.constant 0x7F800000 : f32
      %broadcast_in_dim3A_166 = vector.broadcast %broadcast_in_dim3A_165 : f32 to vector<8x128xf32>
      %swap3A_167 = arith.constant 0 : index
      %swap3A_168 = arith.constant 0 : index
      %swap3A_169 = vector.load %arg10[%swap3A_167, %swap3A_168] : memref<8x128xf32, #tpu.memory_space<vmem>>, vector<8x128xf32>
      tpu.vector_store %arg10[%swap3A_167, %swap3A_168], %broadcast_in_dim3A_166 {strides = array<i32>} : memref<8x128xf32, #tpu.memory_space<vmem>>, vector<8x128xf32>,
      %broadcast_in_dim3A_170 = arith.constant 0 : i32
      %broadcast_in_dim3A_171 = vector.broadcast %broadcast_in_dim3A_170 : i32 to vector<8x128xi32>
      %swap3A_172 = arith.constant 0 : index
      %swap3A_173 = arith.constant 0 : index
      %swap3A_174 = vector.load %arg18[%swap3A_172, %swap3A_173] : memref<8x128xi32, #tpu.memory_space<vmem>>, vector<8x128xi32>
      tpu.vector_store %arg18[%swap3A_172, %swap3A_173], %broadcast_in_dim3A_171 {strides = array<i32>} : memref<8x128xi32, #tpu.memory_space<vmem>>, vector<8x128xi32>,
      %broadcast_in_dim3A_175 = arith.constant 0x7F800000 : f32
      %broadcast_in_dim3A_176 = vector.broadcast %broadcast_in_dim3A_175 : f32 to vector<8x128xf32>
      %swap3A_177 = arith.constant 0 : index
      %swap3A_178 = arith.constant 0 : index
      %swap3A_179 = vector.load %arg11[%swap3A_177, %swap3A_178] : memref<8x128xf32, #tpu.memory_space<vmem>>, vector<8x128xf32>
      tpu.vector_store %arg11[%swap3A_177, %swap3A_178], %broadcast_in_dim3A_176 {strides = array<i32>} : memref<8x128xf32, #tpu.memory_space<vmem>>, vector<8x128xf32>,
      %broadcast_in_dim3A_180 = arith.constant 0 : i32
      %broadcast_in_dim3A_181 = vector.broadcast %broadcast_in_dim3A_180 : i32 to vector<8x128xi32>
      %swap3A_182 = arith.constant 0 : index
      %swap3A_183 = arith.constant 0 : index
      %swap3A_184 = vector.load %arg19[%swap3A_182, %swap3A_183] : memref<8x128xi32, #tpu.memory_space<vmem>>, vector<8x128xi32>
      tpu.vector_store %arg19[%swap3A_182, %swap3A_183], %broadcast_in_dim3A_181 {strides = array<i32>} : memref<8x128xi32, #tpu.memory_space<vmem>>, vector<8x128xi32>,
    } else {
    }
    %get3A = arith.constant 0 : index
    %get3A_2 = arith.constant 0 : index
    %get3A_3 = vector.load %arg4[%get3A, %get3A_2] : memref<8x128xf32, #tpu.memory_space<vmem>>, vector<8x128xf32>
    %get3A_4 = arith.constant 0 : index
    %get3A_5 = arith.constant 0 : index
    %get3A_6 = vector.load %arg5[%get3A_4, %get3A_5] : memref<8x128xf32, #tpu.memory_space<vmem>>, vector<8x128xf32>
    %get3A_7 = arith.constant 0 : index
    %get3A_8 = arith.constant 0 : index
    %get3A_9 = vector.load %arg6[%get3A_7, %get3A_8] : memref<8x128xf32, #tpu.memory_space<vmem>>, vector<8x128xf32>
    %get3A_10 = arith.constant 0 : index
    %get3A_11 = arith.constant 0 : index
    %get3A_12 = vector.load %arg7[%get3A_10, %get3A_11] : memref<8x128xf32, #tpu.memory_space<vmem>>, vector<8x128xf32>
    %get3A_13 = arith.constant 0 : index
    %get3A_14 = arith.constant 0 : index
    %get3A_15 = vector.load %arg8[%get3A_13, %get3A_14] : memref<8x128xf32, #tpu.memory_space<vmem>>, vector<8x128xf32>
    %get3A_16 = arith.constant 0 : index
    %get3A_17 = arith.constant 0 : index
    %get3A_18 = vector.load %arg9[%get3A_16, %get3A_17] : memref<8x128xf32, #tpu.memory_space<vmem>>, vector<8x128xf32>
    %get3A_19 = arith.constant 0 : index
    %get3A_20 = arith.constant 0 : index
    %get3A_21 = vector.load %arg10[%get3A_19, %get3A_20] : memref<8x128xf32, #tpu.memory_space<vmem>>, vector<8x128xf32>
    %get3A_22 = arith.constant 0 : index
    %get3A_23 = arith.constant 0 : index
    %get3A_24 = vector.load %arg11[%get3A_22, %get3A_23] : memref<8x128xf32, #tpu.memory_space<vmem>>, vector<8x128xf32>
    %get3A_25 = arith.constant 0 : index
    %get3A_26 = arith.constant 0 : index
    %get3A_27 = vector.load %arg12[%get3A_25, %get3A_26] : memref<8x128xi32, #tpu.memory_space<vmem>>, vector<8x128xi32>
    %get3A_28 = arith.constant 0 : index
    %get3A_29 = arith.constant 0 : index
    %get3A_30 = vector.load %arg13[%get3A_28, %get3A_29] : memref<8x128xi32, #tpu.memory_space<vmem>>, vector<8x128xi32>
    %get3A_31 = arith.constant 0 : index
    %get3A_32 = arith.constant 0 : index
    %get3A_33 = vector.load %arg14[%get3A_31, %get3A_32] : memref<8x128xi32, #tpu.memory_space<vmem>>, vector<8x128xi32>
    %get3A_34 = arith.constant 0 : index
    %get3A_35 = arith.constant 0 : index
    %get3A_36 = vector.load %arg15[%get3A_34, %get3A_35] : memref<8x128xi32, #tpu.memory_space<vmem>>, vector<8x128xi32>
    %get3A_37 = arith.constant 0 : index
    %get3A_38 = arith.constant 0 : index
    %get3A_39 = vector.load %arg16[%get3A_37, %get3A_38] : memref<8x128xi32, #tpu.memory_space<vmem>>, vector<8x128xi32>
    %get3A_40 = arith.constant 0 : index
    %get3A_41 = arith.constant 0 : index
    %get3A_42 = vector.load %arg17[%get3A_40, %get3A_41] : memref<8x128xi32, #tpu.memory_space<vmem>>, vector<8x128xi32>
    %get3A_43 = arith.constant 0 : index
    %get3A_44 = arith.constant 0 : index
    %get3A_45 = vector.load %arg18[%get3A_43, %get3A_44] : memref<8x128xi32, #tpu.memory_space<vmem>>, vector<8x128xi32>
    %get3A_46 = arith.constant 0 : index
    %get3A_47 = arith.constant 0 : index
    %get3A_48 = vector.load %arg19[%get3A_46, %get3A_47] : memref<8x128xi32, #tpu.memory_space<vmem>>, vector<8x128xi32>
    %scan3A = arith.constant 0 : i32
    %scan3A_49 = arith.constant 64 : i32
    %scan3A_50 = arith.addi %scan3A, %scan3A_49 : i32
    %scan3A_51 = arith.constant 1 : i32
    %scan3A_52:16 = scf.for %scan3A_106 = %scan3A to %scan3A_50 step %scan3A_51 iter_args(%scan3A_107 = %get3A_3, %scan3A_108 = %get3A_6, %scan3A_109 = %get3A_9, %scan3A_110 = %get3A_12, %scan3A_111 = %get3A_15, %scan3A_112 = %get3A_18, %scan3A_113 = %get3A_21, %scan3A_114 = %get3A_24, %scan3A_115 = %get3A_27, %scan3A_116 = %get3A_30, %scan3A_117 = %get3A_33, %scan3A_118 = %get3A_36, %scan3A_119 = %get3A_39, %scan3A_120 = %get3A_42, %scan3A_121 = %get3A_45, %scan3A_122 = %get3A_48) -> (vector<8x128xf32>, vector<8x128xf32>, vector<8x128xf32>, vector<8x128xf32>, vector<8x128xf32>, vector<8x128xf32>, vector<8x128xf32>, vector<8x128xf32>, vector<8x128xi32>, vector<8x128xi32>, vector<8x128xi32>, vector<8x128xi32>, vector<8x128xi32>, vector<8x128xi32>, vector<8x128xi32>, vector<8x128xi32>)  : i32 {
      %mul3A = arith.constant 64 : i32
      %mul3A_123 = arith.muli %arg0, %mul3A : i32
      %add3A = arith.addi %mul3A_123, %scan3A_106 : i32
      %broadcast_in_dim3A = vector.broadcast %add3A : i32 to vector<8x128xi32>
      %mul3A_124 = arith.constant 8 : i32
      %mul3A_125 = arith.muli %scan3A_106, %mul3A_124 : i32
      %add3A_126 = arith.constant 0 : i32
      %add3A_127 = arith.addi %mul3A_125, %add3A_126 : i32
      %mul3A_128 = arith.constant 8 : i32
      %mul3A_129 = arith.muli %add3A_127, %mul3A_128 : i32
      %get3A_130 = arith.index_cast %mul3A_129 : i32 to index
      %get3A_131 = arith.constant 0 : index
      %get3A_132 = vector.load %arg1[%get3A_130, %get3A_131] : memref<4096x128xf32, #tpu.memory_space<vmem>>, vector<8x128xf32>
      %abs3A = math.absf %get3A_132 : vector<8x128xf32>
      %lt3A = arith.cmpf olt, %abs3A, %scan3A_107 : vector<8x128xf32>
      %min3A = arith.minimumf %abs3A, %scan3A_107 : vector<8x128xf32>
      %select_n3A = arith.select %lt3A, %broadcast_in_dim3A, %scan3A_115 : vector<8x128xi1>, vector<8x128xi32>
      %mul3A_133 = arith.constant 8 : i32
      %mul3A_134 = arith.muli %scan3A_106, %mul3A_133 : i32
      %add3A_135 = arith.constant 1 : i32
      %add3A_136 = arith.addi %mul3A_134, %add3A_135 : i32
      %mul3A_137 = arith.constant 8 : i32
      %mul3A_138 = arith.muli %add3A_136, %mul3A_137 : i32
      %get3A_139 = arith.index_cast %mul3A_138 : i32 to index
      %get3A_140 = arith.constant 0 : index
      %get3A_141 = vector.load %arg1[%get3A_139, %get3A_140] : memref<4096x128xf32, #tpu.memory_space<vmem>>, vector<8x128xf32>
      %abs3A_142 = math.absf %get3A_141 : vector<8x128xf32>
      %lt3A_143 = arith.cmpf olt, %abs3A_142, %scan3A_108 : vector<8x128xf32>
      %min3A_144 = arith.minimumf %abs3A_142, %scan3A_108 : vector<8x128xf32>
      %select_n3A_145 = arith.select %lt3A_143, %broadcast_in_dim3A, %scan3A_116 : vector<8x128xi1>, vector<8x128xi32>
      %mul3A_146 = arith.constant 8 : i32
      %mul3A_147 = arith.muli %scan3A_106, %mul3A_146 : i32
      %add3A_148 = arith.constant 2 : i32
      %add3A_149 = arith.addi %mul3A_147, %add3A_148 : i32
      %mul3A_150 = arith.constant 8 : i32
      %mul3A_151 = arith.muli %add3A_149, %mul3A_150 : i32
      %get3A_152 = arith.index_cast %mul3A_151 : i32 to index
      %get3A_153 = arith.constant 0 : index
      %get3A_154 = vector.load %arg1[%get3A_152, %get3A_153] : memref<4096x128xf32, #tpu.memory_space<vmem>>, vector<8x128xf32>
      %abs3A_155 = math.absf %get3A_154 : vector<8x128xf32>
      %lt3A_156 = arith.cmpf olt, %abs3A_155, %scan3A_109 : vector<8x128xf32>
      %min3A_157 = arith.minimumf %abs3A_155, %scan3A_109 : vector<8x128xf32>
      %select_n3A_158 = arith.select %lt3A_156, %broadcast_in_dim3A, %scan3A_117 : vector<8x128xi1>, vector<8x128xi32>
      %mul3A_159 = arith.constant 8 : i32
      %mul3A_160 = arith.muli %scan3A_106, %mul3A_159 : i32
      %add3A_161 = arith.constant 3 : i32
      %add3A_162 = arith.addi %mul3A_160, %add3A_161 : i32
      %mul3A_163 = arith.constant 8 : i32
      %mul3A_164 = arith.muli %add3A_162, %mul3A_163 : i32
      %get3A_165 = arith.index_cast %mul3A_164 : i32 to index
      %get3A_166 = arith.constant 0 : index
      %get3A_167 = vector.load %arg1[%get3A_165, %get3A_166] : memref<4096x128xf32, #tpu.memory_space<vmem>>, vector<8x128xf32>
      %abs3A_168 = math.absf %get3A_167 : vector<8x128xf32>
      %lt3A_169 = arith.cmpf olt, %abs3A_168, %scan3A_110 : vector<8x128xf32>
      %min3A_170 = arith.minimumf %abs3A_168, %scan3A_110 : vector<8x128xf32>
      %select_n3A_171 = arith.select %lt3A_169, %broadcast_in_dim3A, %scan3A_118 : vector<8x128xi1>, vector<8x128xi32>
      %mul3A_172 = arith.constant 8 : i32
      %mul3A_173 = arith.muli %scan3A_106, %mul3A_172 : i32
      %add3A_174 = arith.constant 4 : i32
      %add3A_175 = arith.addi %mul3A_173, %add3A_174 : i32
      %mul3A_176 = arith.constant 8 : i32
      %mul3A_177 = arith.muli %add3A_175, %mul3A_176 : i32
      %get3A_178 = arith.index_cast %mul3A_177 : i32 to index
      %get3A_179 = arith.constant 0 : index
      %get3A_180 = vector.load %arg1[%get3A_178, %get3A_179] : memref<4096x128xf32, #tpu.memory_space<vmem>>, vector<8x128xf32>
      %abs3A_181 = math.absf %get3A_180 : vector<8x128xf32>
      %lt3A_182 = arith.cmpf olt, %abs3A_181, %scan3A_111 : vector<8x128xf32>
      %min3A_183 = arith.minimumf %abs3A_181, %scan3A_111 : vector<8x128xf32>
      %select_n3A_184 = arith.select %lt3A_182, %broadcast_in_dim3A, %scan3A_119 : vector<8x128xi1>, vector<8x128xi32>
      %mul3A_185 = arith.constant 8 : i32
      %mul3A_186 = arith.muli %scan3A_106, %mul3A_185 : i32
      %add3A_187 = arith.constant 5 : i32
      %add3A_188 = arith.addi %mul3A_186, %add3A_187 : i32
      %mul3A_189 = arith.constant 8 : i32
      %mul3A_190 = arith.muli %add3A_188, %mul3A_189 : i32
      %get3A_191 = arith.index_cast %mul3A_190 : i32 to index
      %get3A_192 = arith.constant 0 : index
      %get3A_193 = vector.load %arg1[%get3A_191, %get3A_192] : memref<4096x128xf32, #tpu.memory_space<vmem>>, vector<8x128xf32>
      %abs3A_194 = math.absf %get3A_193 : vector<8x128xf32>
      %lt3A_195 = arith.cmpf olt, %abs3A_194, %scan3A_112 : vector<8x128xf32>
      %min3A_196 = arith.minimumf %abs3A_194, %scan3A_112 : vector<8x128xf32>
      %select_n3A_197 = arith.select %lt3A_195, %broadcast_in_dim3A, %scan3A_120 : vector<8x128xi1>, vector<8x128xi32>
      %mul3A_198 = arith.constant 8 : i32
      %mul3A_199 = arith.muli %scan3A_106, %mul3A_198 : i32
      %add3A_200 = arith.constant 6 : i32
      %add3A_201 = arith.addi %mul3A_199, %add3A_200 : i32
      %mul3A_202 = arith.constant 8 : i32
      %mul3A_203 = arith.muli %add3A_201, %mul3A_202 : i32
      %get3A_204 = arith.index_cast %mul3A_203 : i32 to index
      %get3A_205 = arith.constant 0 : index
      %get3A_206 = vector.load %arg1[%get3A_204, %get3A_205] : memref<4096x128xf32, #tpu.memory_space<vmem>>, vector<8x128xf32>
      %abs3A_207 = math.absf %get3A_206 : vector<8x128xf32>
      %lt3A_208 = arith.cmpf olt, %abs3A_207, %scan3A_113 : vector<8x128xf32>
      %min3A_209 = arith.minimumf %abs3A_207, %scan3A_113 : vector<8x128xf32>
      %select_n3A_210 = arith.select %lt3A_208, %broadcast_in_dim3A, %scan3A_121 : vector<8x128xi1>, vector<8x128xi32>
      %mul3A_211 = arith.constant 8 : i32
      %mul3A_212 = arith.muli %scan3A_106, %mul3A_211 : i32
      %add3A_213 = arith.constant 7 : i32
      %add3A_214 = arith.addi %mul3A_212, %add3A_213 : i32
      %mul3A_215 = arith.constant 8 : i32
      %mul3A_216 = arith.muli %add3A_214, %mul3A_215 : i32
      %get3A_217 = arith.index_cast %mul3A_216 : i32 to index
      %get3A_218 = arith.constant 0 : index
      %get3A_219 = vector.load %arg1[%get3A_217, %get3A_218] : memref<4096x128xf32, #tpu.memory_space<vmem>>, vector<8x128xf32>
      %abs3A_220 = math.absf %get3A_219 : vector<8x128xf32>
      %lt3A_221 = arith.cmpf olt, %abs3A_220, %scan3A_114 : vector<8x128xf32>
      %min3A_222 = arith.minimumf %abs3A_220, %scan3A_114 : vector<8x128xf32>
      %select_n3A_223 = arith.select %lt3A_221, %broadcast_in_dim3A, %scan3A_122 : vector<8x128xi1>, vector<8x128xi32>
      scf.yield %min3A, %min3A_144, %min3A_157, %min3A_170, %min3A_183, %min3A_196, %min3A_209, %min3A_222, %select_n3A, %select_n3A_145, %select_n3A_158, %select_n3A_171, %select_n3A_184, %select_n3A_197, %select_n3A_210, %select_n3A_223 : vector<8x128xf32>, vector<8x128xf32>, vector<8x128xf32>, vector<8x128xf32>, vector<8x128xf32>, vector<8x128xf32>, vector<8x128xf32>, vector<8x128xf32>, vector<8x128xi32>, vector<8x128xi32>, vector<8x128xi32>, vector<8x128xi32>, vector<8x128xi32>, vector<8x128xi32>, vector<8x128xi32>, vector<8x128xi32>
    }
    %scan3A_53 = arith.constant 64 : i32
    %swap3A = arith.constant 0 : index
    %swap3A_54 = arith.constant 0 : index
    %swap3A_55 = vector.load %arg4[%swap3A, %swap3A_54] : memref<8x128xf32, #tpu.memory_space<vmem>>, vector<8x128xf32>
    tpu.vector_store %arg4[%swap3A, %swap3A_54], %scan3A_52#0 {strides = array<i32>} : memref<8x128xf32, #tpu.memory_space<vmem>>, vector<8x128xf32>,
    %swap3A_56 = arith.constant 0 : index
    %swap3A_57 = arith.constant 0 : index
    %swap3A_58 = vector.load %arg12[%swap3A_56, %swap3A_57] : memref<8x128xi32, #tpu.memory_space<vmem>>, vector<8x128xi32>
    tpu.vector_store %arg12[%swap3A_56, %swap3A_57], %scan3A_52#8 {strides = array<i32>} : memref<8x128xi32, #tpu.memory_space<vmem>>, vector<8x128xi32>,
    %swap3A_59 = arith.constant 0 : index
    %swap3A_60 = arith.constant 0 : index
    %swap3A_61 = vector.load %arg5[%swap3A_59, %swap3A_60] : memref<8x128xf32, #tpu.memory_space<vmem>>, vector<8x128xf32>
    tpu.vector_store %arg5[%swap3A_59, %swap3A_60], %scan3A_52#1 {strides = array<i32>} : memref<8x128xf32, #tpu.memory_space<vmem>>, vector<8x128xf32>,
    %swap3A_62 = arith.constant 0 : index
    %swap3A_63 = arith.constant 0 : index
    %swap3A_64 = vector.load %arg13[%swap3A_62, %swap3A_63] : memref<8x128xi32, #tpu.memory_space<vmem>>, vector<8x128xi32>
    tpu.vector_store %arg13[%swap3A_62, %swap3A_63], %scan3A_52#9 {strides = array<i32>} : memref<8x128xi32, #tpu.memory_space<vmem>>, vector<8x128xi32>,
    %swap3A_65 = arith.constant 0 : index
    %swap3A_66 = arith.constant 0 : index
    %swap3A_67 = vector.load %arg6[%swap3A_65, %swap3A_66] : memref<8x128xf32, #tpu.memory_space<vmem>>, vector<8x128xf32>
    tpu.vector_store %arg6[%swap3A_65, %swap3A_66], %scan3A_52#2 {strides = array<i32>} : memref<8x128xf32, #tpu.memory_space<vmem>>, vector<8x128xf32>,
    %swap3A_68 = arith.constant 0 : index
    %swap3A_69 = arith.constant 0 : index
    %swap3A_70 = vector.load %arg14[%swap3A_68, %swap3A_69] : memref<8x128xi32, #tpu.memory_space<vmem>>, vector<8x128xi32>
    tpu.vector_store %arg14[%swap3A_68, %swap3A_69], %scan3A_52#10 {strides = array<i32>} : memref<8x128xi32, #tpu.memory_space<vmem>>, vector<8x128xi32>,
    %swap3A_71 = arith.constant 0 : index
    %swap3A_72 = arith.constant 0 : index
    %swap3A_73 = vector.load %arg7[%swap3A_71, %swap3A_72] : memref<8x128xf32, #tpu.memory_space<vmem>>, vector<8x128xf32>
    tpu.vector_store %arg7[%swap3A_71, %swap3A_72], %scan3A_52#3 {strides = array<i32>} : memref<8x128xf32, #tpu.memory_space<vmem>>, vector<8x128xf32>,
    %swap3A_74 = arith.constant 0 : index
    %swap3A_75 = arith.constant 0 : index
    %swap3A_76 = vector.load %arg15[%swap3A_74, %swap3A_75] : memref<8x128xi32, #tpu.memory_space<vmem>>, vector<8x128xi32>
    tpu.vector_store %arg15[%swap3A_74, %swap3A_75], %scan3A_52#11 {strides = array<i32>} : memref<8x128xi32, #tpu.memory_space<vmem>>, vector<8x128xi32>,
    %swap3A_77 = arith.constant 0 : index
    %swap3A_78 = arith.constant 0 : index
    %swap3A_79 = vector.load %arg8[%swap3A_77, %swap3A_78] : memref<8x128xf32, #tpu.memory_space<vmem>>, vector<8x128xf32>
    tpu.vector_store %arg8[%swap3A_77, %swap3A_78], %scan3A_52#4 {strides = array<i32>} : memref<8x128xf32, #tpu.memory_space<vmem>>, vector<8x128xf32>,
    %swap3A_80 = arith.constant 0 : index
    %swap3A_81 = arith.constant 0 : index
    %swap3A_82 = vector.load %arg16[%swap3A_80, %swap3A_81] : memref<8x128xi32, #tpu.memory_space<vmem>>, vector<8x128xi32>
    tpu.vector_store %arg16[%swap3A_80, %swap3A_81], %scan3A_52#12 {strides = array<i32>} : memref<8x128xi32, #tpu.memory_space<vmem>>, vector<8x128xi32>,
    %swap3A_83 = arith.constant 0 : index
    %swap3A_84 = arith.constant 0 : index
    %swap3A_85 = vector.load %arg9[%swap3A_83, %swap3A_84] : memref<8x128xf32, #tpu.memory_space<vmem>>, vector<8x128xf32>
    tpu.vector_store %arg9[%swap3A_83, %swap3A_84], %scan3A_52#5 {strides = array<i32>} : memref<8x128xf32, #tpu.memory_space<vmem>>, vector<8x128xf32>,
    %swap3A_86 = arith.constant 0 : index
    %swap3A_87 = arith.constant 0 : index
    %swap3A_88 = vector.load %arg17[%swap3A_86, %swap3A_87] : memref<8x128xi32, #tpu.memory_space<vmem>>, vector<8x128xi32>
    tpu.vector_store %arg17[%swap3A_86, %swap3A_87], %scan3A_52#13 {strides = array<i32>} : memref<8x128xi32, #tpu.memory_space<vmem>>, vector<8x128xi32>,
    %swap3A_89 = arith.constant 0 : index
    %swap3A_90 = arith.constant 0 : index
    %swap3A_91 = vector.load %arg10[%swap3A_89, %swap3A_90] : memref<8x128xf32, #tpu.memory_space<vmem>>, vector<8x128xf32>
    tpu.vector_store %arg10[%swap3A_89, %swap3A_90], %scan3A_52#6 {strides = array<i32>} : memref<8x128xf32, #tpu.memory_space<vmem>>, vector<8x128xf32>,
    %swap3A_92 = arith.constant 0 : index
    %swap3A_93 = arith.constant 0 : index
    %swap3A_94 = vector.load %arg18[%swap3A_92, %swap3A_93] : memref<8x128xi32, #tpu.memory_space<vmem>>, vector<8x128xi32>
    tpu.vector_store %arg18[%swap3A_92, %swap3A_93], %scan3A_52#14 {strides = array<i32>} : memref<8x128xi32, #tpu.memory_space<vmem>>, vector<8x128xi32>,
    %swap3A_95 = arith.constant 0 : index
    %swap3A_96 = arith.constant 0 : index
    %swap3A_97 = vector.load %arg11[%swap3A_95, %swap3A_96] : memref<8x128xf32, #tpu.memory_space<vmem>>, vector<8x128xf32>
    tpu.vector_store %arg11[%swap3A_95, %swap3A_96], %scan3A_52#7 {strides = array<i32>} : memref<8x128xf32, #tpu.memory_space<vmem>>, vector<8x128xf32>,
    %swap3A_98 = arith.constant 0 : index
    %swap3A_99 = arith.constant 0 : index
    %swap3A_100 = vector.load %arg19[%swap3A_98, %swap3A_99] : memref<8x128xi32, #tpu.memory_space<vmem>>, vector<8x128xi32>
    tpu.vector_store %arg19[%swap3A_98, %swap3A_99], %scan3A_52#15 {strides = array<i32>} : memref<8x128xi32, #tpu.memory_space<vmem>>, vector<8x128xi32>,
    %eq3A_101 = arith.constant 25 : i32
    %eq3A_102 = arith.cmpi eq, %arg0, %eq3A_101 : i32
    %convert_element_type3A_103 = arith.extui %eq3A_102 : i1 to i32
    %cond3A_104 = arith.constant 0 : i32
    %cond3A_105 = arith.cmpi ne, %convert_element_type3A_103, %cond3A_104 : i32
    scf.if %cond3A_105 {
      %iota3A = tpu.iota {dimensions = array<i32: 0>} : vector<8x128xi32>
      %iota3A_106 = tpu.iota {dimensions = array<i32: 1>} : vector<8x128xi32>
      %mul3A = arith.constant 8 : i32
      %mul3A_107 = vector.broadcast %mul3A : i32 to vector<8x128xi32>
      %mul3A_108 = arith.muli %scan3A_52#8, %mul3A_107 : vector<8x128xi32>
      %add3A = arith.constant 0 : i32
      %add3A_109 = vector.broadcast %add3A : i32 to vector<8x128xi32>
      %add3A_110 = arith.addi %mul3A_108, %add3A_109 : vector<8x128xi32>
      %mul3A_111 = arith.constant 8 : i32
      %mul3A_112 = vector.broadcast %mul3A_111 : i32 to vector<8x128xi32>
      %mul3A_113 = arith.muli %add3A_110, %mul3A_112 : vector<8x128xi32>
      %add3A_114 = arith.addi %mul3A_113, %iota3A : vector<8x128xi32>
      %mul3A_115 = arith.constant 128 : i32
      %mul3A_116 = vector.broadcast %mul3A_115 : i32 to vector<8x128xi32>
      %mul3A_117 = arith.muli %add3A_114, %mul3A_116 : vector<8x128xi32>
      %add3A_118 = arith.constant 19922944 : i32
      %add3A_119 = vector.broadcast %add3A_118 : i32 to vector<8x128xi32>
      %add3A_120 = arith.addi %add3A_119, %mul3A_117 : vector<8x128xi32>
      %add3A_121 = arith.addi %add3A_120, %iota3A_106 : vector<8x128xi32>
      %mul3A_122 = arith.constant 8 : i32
      %mul3A_123 = vector.broadcast %mul3A_122 : i32 to vector<8x128xi32>
      %mul3A_124 = arith.muli %scan3A_52#9, %mul3A_123 : vector<8x128xi32>
      %add3A_125 = arith.constant 1 : i32
      %add3A_126 = vector.broadcast %add3A_125 : i32 to vector<8x128xi32>
      %add3A_127 = arith.addi %mul3A_124, %add3A_126 : vector<8x128xi32>
      %mul3A_128 = arith.constant 8 : i32
      %mul3A_129 = vector.broadcast %mul3A_128 : i32 to vector<8x128xi32>
      %mul3A_130 = arith.muli %add3A_127, %mul3A_129 : vector<8x128xi32>
      %add3A_131 = arith.addi %mul3A_130, %iota3A : vector<8x128xi32>
      %mul3A_132 = arith.constant 128 : i32
      %mul3A_133 = vector.broadcast %mul3A_132 : i32 to vector<8x128xi32>
      %mul3A_134 = arith.muli %add3A_131, %mul3A_133 : vector<8x128xi32>
      %add3A_135 = arith.constant 19922944 : i32
      %add3A_136 = vector.broadcast %add3A_135 : i32 to vector<8x128xi32>
      %add3A_137 = arith.addi %add3A_136, %mul3A_134 : vector<8x128xi32>
      %add3A_138 = arith.addi %add3A_137, %iota3A_106 : vector<8x128xi32>
      %lt3A = arith.cmpf olt, %scan3A_52#1, %scan3A_52#0 : vector<8x128xf32>
      %eq3A_139 = arith.cmpf oeq, %scan3A_52#1, %scan3A_52#0 : vector<8x128xf32>
      %lt3A_140 = arith.cmpi slt, %add3A_138, %add3A_121 : vector<8x128xi32>
      %and3A = arith.andi %eq3A_139, %lt3A_140 : vector<8x128xi1>
      %or3A = arith.ori %lt3A, %and3A : vector<8x128xi1>
      %select_n3A = arith.select %or3A, %scan3A_52#1, %scan3A_52#0 : vector<8x128xi1>, vector<8x128xf32>
      %select_n3A_141 = arith.select %or3A, %add3A_138, %add3A_121 : vector<8x128xi1>, vector<8x128xi32>
      %mul3A_142 = arith.constant 8 : i32
      %mul3A_143 = vector.broadcast %mul3A_142 : i32 to vector<8x128xi32>
      %mul3A_144 = arith.muli %scan3A_52#10, %mul3A_143 : vector<8x128xi32>
      %add3A_145 = arith.constant 2 : i32
      %add3A_146 = vector.broadcast %add3A_145 : i32 to vector<8x128xi32>
      %add3A_147 = arith.addi %mul3A_144, %add3A_146 : vector<8x128xi32>
      %mul3A_148 = arith.constant 8 : i32
      %mul3A_149 = vector.broadcast %mul3A_148 : i32 to vector<8x128xi32>
      %mul3A_150 = arith.muli %add3A_147, %mul3A_149 : vector<8x128xi32>
      %add3A_151 = arith.addi %mul3A_150, %iota3A : vector<8x128xi32>
      %mul3A_152 = arith.constant 128 : i32
      %mul3A_153 = vector.broadcast %mul3A_152 : i32 to vector<8x128xi32>
      %mul3A_154 = arith.muli %add3A_151, %mul3A_153 : vector<8x128xi32>
      %add3A_155 = arith.constant 19922944 : i32
      %add3A_156 = vector.broadcast %add3A_155 : i32 to vector<8x128xi32>
      %add3A_157 = arith.addi %add3A_156, %mul3A_154 : vector<8x128xi32>
      %add3A_158 = arith.addi %add3A_157, %iota3A_106 : vector<8x128xi32>
      %lt3A_159 = arith.cmpf olt, %scan3A_52#2, %select_n3A : vector<8x128xf32>
      %eq3A_160 = arith.cmpf oeq, %scan3A_52#2, %select_n3A : vector<8x128xf32>
      %lt3A_161 = arith.cmpi slt, %add3A_158, %select_n3A_141 : vector<8x128xi32>
      %and3A_162 = arith.andi %eq3A_160, %lt3A_161 : vector<8x128xi1>
      %or3A_163 = arith.ori %lt3A_159, %and3A_162 : vector<8x128xi1>
      %select_n3A_164 = arith.select %or3A_163, %scan3A_52#2, %select_n3A : vector<8x128xi1>, vector<8x128xf32>
      %select_n3A_165 = arith.select %or3A_163, %add3A_158, %select_n3A_141 : vector<8x128xi1>, vector<8x128xi32>
      %mul3A_166 = arith.constant 8 : i32
      %mul3A_167 = vector.broadcast %mul3A_166 : i32 to vector<8x128xi32>
      %mul3A_168 = arith.muli %scan3A_52#11, %mul3A_167 : vector<8x128xi32>
      %add3A_169 = arith.constant 3 : i32
      %add3A_170 = vector.broadcast %add3A_169 : i32 to vector<8x128xi32>
      %add3A_171 = arith.addi %mul3A_168, %add3A_170 : vector<8x128xi32>
      %mul3A_172 = arith.constant 8 : i32
      %mul3A_173 = vector.broadcast %mul3A_172 : i32 to vector<8x128xi32>
      %mul3A_174 = arith.muli %add3A_171, %mul3A_173 : vector<8x128xi32>
      %add3A_175 = arith.addi %mul3A_174, %iota3A : vector<8x128xi32>
      %mul3A_176 = arith.constant 128 : i32
      %mul3A_177 = vector.broadcast %mul3A_176 : i32 to vector<8x128xi32>
      %mul3A_178 = arith.muli %add3A_175, %mul3A_177 : vector<8x128xi32>
      %add3A_179 = arith.constant 19922944 : i32
      %add3A_180 = vector.broadcast %add3A_179 : i32 to vector<8x128xi32>
      %add3A_181 = arith.addi %add3A_180, %mul3A_178 : vector<8x128xi32>
      %add3A_182 = arith.addi %add3A_181, %iota3A_106 : vector<8x128xi32>
      %lt3A_183 = arith.cmpf olt, %scan3A_52#3, %select_n3A_164 : vector<8x128xf32>
      %eq3A_184 = arith.cmpf oeq, %scan3A_52#3, %select_n3A_164 : vector<8x128xf32>
      %lt3A_185 = arith.cmpi slt, %add3A_182, %select_n3A_165 : vector<8x128xi32>
      %and3A_186 = arith.andi %eq3A_184, %lt3A_185 : vector<8x128xi1>
      %or3A_187 = arith.ori %lt3A_183, %and3A_186 : vector<8x128xi1>
      %select_n3A_188 = arith.select %or3A_187, %scan3A_52#3, %select_n3A_164 : vector<8x128xi1>, vector<8x128xf32>
      %select_n3A_189 = arith.select %or3A_187, %add3A_182, %select_n3A_165 : vector<8x128xi1>, vector<8x128xi32>
      %mul3A_190 = arith.constant 8 : i32
      %mul3A_191 = vector.broadcast %mul3A_190 : i32 to vector<8x128xi32>
      %mul3A_192 = arith.muli %scan3A_52#12, %mul3A_191 : vector<8x128xi32>
      %add3A_193 = arith.constant 4 : i32
      %add3A_194 = vector.broadcast %add3A_193 : i32 to vector<8x128xi32>
      %add3A_195 = arith.addi %mul3A_192, %add3A_194 : vector<8x128xi32>
      %mul3A_196 = arith.constant 8 : i32
      %mul3A_197 = vector.broadcast %mul3A_196 : i32 to vector<8x128xi32>
      %mul3A_198 = arith.muli %add3A_195, %mul3A_197 : vector<8x128xi32>
      %add3A_199 = arith.addi %mul3A_198, %iota3A : vector<8x128xi32>
      %mul3A_200 = arith.constant 128 : i32
      %mul3A_201 = vector.broadcast %mul3A_200 : i32 to vector<8x128xi32>
      %mul3A_202 = arith.muli %add3A_199, %mul3A_201 : vector<8x128xi32>
      %add3A_203 = arith.constant 19922944 : i32
      %add3A_204 = vector.broadcast %add3A_203 : i32 to vector<8x128xi32>
      %add3A_205 = arith.addi %add3A_204, %mul3A_202 : vector<8x128xi32>
      %add3A_206 = arith.addi %add3A_205, %iota3A_106 : vector<8x128xi32>
      %lt3A_207 = arith.cmpf olt, %scan3A_52#4, %select_n3A_188 : vector<8x128xf32>
      %eq3A_208 = arith.cmpf oeq, %scan3A_52#4, %select_n3A_188 : vector<8x128xf32>
      %lt3A_209 = arith.cmpi slt, %add3A_206, %select_n3A_189 : vector<8x128xi32>
      %and3A_210 = arith.andi %eq3A_208, %lt3A_209 : vector<8x128xi1>
      %or3A_211 = arith.ori %lt3A_207, %and3A_210 : vector<8x128xi1>
      %select_n3A_212 = arith.select %or3A_211, %scan3A_52#4, %select_n3A_188 : vector<8x128xi1>, vector<8x128xf32>
      %select_n3A_213 = arith.select %or3A_211, %add3A_206, %select_n3A_189 : vector<8x128xi1>, vector<8x128xi32>
      %mul3A_214 = arith.constant 8 : i32
      %mul3A_215 = vector.broadcast %mul3A_214 : i32 to vector<8x128xi32>
      %mul3A_216 = arith.muli %scan3A_52#13, %mul3A_215 : vector<8x128xi32>
      %add3A_217 = arith.constant 5 : i32
      %add3A_218 = vector.broadcast %add3A_217 : i32 to vector<8x128xi32>
      %add3A_219 = arith.addi %mul3A_216, %add3A_218 : vector<8x128xi32>
      %mul3A_220 = arith.constant 8 : i32
      %mul3A_221 = vector.broadcast %mul3A_220 : i32 to vector<8x128xi32>
      %mul3A_222 = arith.muli %add3A_219, %mul3A_221 : vector<8x128xi32>
      %add3A_223 = arith.addi %mul3A_222, %iota3A : vector<8x128xi32>
      %mul3A_224 = arith.constant 128 : i32
      %mul3A_225 = vector.broadcast %mul3A_224 : i32 to vector<8x128xi32>
      %mul3A_226 = arith.muli %add3A_223, %mul3A_225 : vector<8x128xi32>
      %add3A_227 = arith.constant 19922944 : i32
      %add3A_228 = vector.broadcast %add3A_227 : i32 to vector<8x128xi32>
      %add3A_229 = arith.addi %add3A_228, %mul3A_226 : vector<8x128xi32>
      %add3A_230 = arith.addi %add3A_229, %iota3A_106 : vector<8x128xi32>
      %lt3A_231 = arith.cmpf olt, %scan3A_52#5, %select_n3A_212 : vector<8x128xf32>
      %eq3A_232 = arith.cmpf oeq, %scan3A_52#5, %select_n3A_212 : vector<8x128xf32>
      %lt3A_233 = arith.cmpi slt, %add3A_230, %select_n3A_213 : vector<8x128xi32>
      %and3A_234 = arith.andi %eq3A_232, %lt3A_233 : vector<8x128xi1>
      %or3A_235 = arith.ori %lt3A_231, %and3A_234 : vector<8x128xi1>
      %select_n3A_236 = arith.select %or3A_235, %scan3A_52#5, %select_n3A_212 : vector<8x128xi1>, vector<8x128xf32>
      %select_n3A_237 = arith.select %or3A_235, %add3A_230, %select_n3A_213 : vector<8x128xi1>, vector<8x128xi32>
      %mul3A_238 = arith.constant 8 : i32
      %mul3A_239 = vector.broadcast %mul3A_238 : i32 to vector<8x128xi32>
      %mul3A_240 = arith.muli %scan3A_52#14, %mul3A_239 : vector<8x128xi32>
      %add3A_241 = arith.constant 6 : i32
      %add3A_242 = vector.broadcast %add3A_241 : i32 to vector<8x128xi32>
      %add3A_243 = arith.addi %mul3A_240, %add3A_242 : vector<8x128xi32>
      %mul3A_244 = arith.constant 8 : i32
      %mul3A_245 = vector.broadcast %mul3A_244 : i32 to vector<8x128xi32>
      %mul3A_246 = arith.muli %add3A_243, %mul3A_245 : vector<8x128xi32>
      %add3A_247 = arith.addi %mul3A_246, %iota3A : vector<8x128xi32>
      %mul3A_248 = arith.constant 128 : i32
      %mul3A_249 = vector.broadcast %mul3A_248 : i32 to vector<8x128xi32>
      %mul3A_250 = arith.muli %add3A_247, %mul3A_249 : vector<8x128xi32>
      %add3A_251 = arith.constant 19922944 : i32
      %add3A_252 = vector.broadcast %add3A_251 : i32 to vector<8x128xi32>
      %add3A_253 = arith.addi %add3A_252, %mul3A_250 : vector<8x128xi32>
      %add3A_254 = arith.addi %add3A_253, %iota3A_106 : vector<8x128xi32>
      %lt3A_255 = arith.cmpf olt, %scan3A_52#6, %select_n3A_236 : vector<8x128xf32>
      %eq3A_256 = arith.cmpf oeq, %scan3A_52#6, %select_n3A_236 : vector<8x128xf32>
      %lt3A_257 = arith.cmpi slt, %add3A_254, %select_n3A_237 : vector<8x128xi32>
      %and3A_258 = arith.andi %eq3A_256, %lt3A_257 : vector<8x128xi1>
      %or3A_259 = arith.ori %lt3A_255, %and3A_258 : vector<8x128xi1>
      %select_n3A_260 = arith.select %or3A_259, %scan3A_52#6, %select_n3A_236 : vector<8x128xi1>, vector<8x128xf32>
      %select_n3A_261 = arith.select %or3A_259, %add3A_254, %select_n3A_237 : vector<8x128xi1>, vector<8x128xi32>
      %mul3A_262 = arith.constant 8 : i32
      %mul3A_263 = vector.broadcast %mul3A_262 : i32 to vector<8x128xi32>
      %mul3A_264 = arith.muli %scan3A_52#15, %mul3A_263 : vector<8x128xi32>
      %add3A_265 = arith.constant 7 : i32
      %add3A_266 = vector.broadcast %add3A_265 : i32 to vector<8x128xi32>
      %add3A_267 = arith.addi %mul3A_264, %add3A_266 : vector<8x128xi32>
      %mul3A_268 = arith.constant 8 : i32
      %mul3A_269 = vector.broadcast %mul3A_268 : i32 to vector<8x128xi32>
      %mul3A_270 = arith.muli %add3A_267, %mul3A_269 : vector<8x128xi32>
      %add3A_271 = arith.addi %mul3A_270, %iota3A : vector<8x128xi32>
      %mul3A_272 = arith.constant 128 : i32
      %mul3A_273 = vector.broadcast %mul3A_272 : i32 to vector<8x128xi32>
      %mul3A_274 = arith.muli %add3A_271, %mul3A_273 : vector<8x128xi32>
      %add3A_275 = arith.constant 19922944 : i32
      %add3A_276 = vector.broadcast %add3A_275 : i32 to vector<8x128xi32>
      %add3A_277 = arith.addi %add3A_276, %mul3A_274 : vector<8x128xi32>
      %add3A_278 = arith.addi %add3A_277, %iota3A_106 : vector<8x128xi32>
      %lt3A_279 = arith.cmpf olt, %scan3A_52#7, %select_n3A_260 : vector<8x128xf32>
      %eq3A_280 = arith.cmpf oeq, %scan3A_52#7, %select_n3A_260 : vector<8x128xf32>
      %lt3A_281 = arith.cmpi slt, %add3A_278, %select_n3A_261 : vector<8x128xi32>
      %and3A_282 = arith.andi %eq3A_280, %lt3A_281 : vector<8x128xi1>
      %or3A_283 = arith.ori %lt3A_279, %and3A_282 : vector<8x128xi1>
      %select_n3A_284 = arith.select %or3A_283, %scan3A_52#7, %select_n3A_260 : vector<8x128xi1>, vector<8x128xf32>
      %select_n3A_285 = arith.select %or3A_283, %add3A_278, %select_n3A_261 : vector<8x128xi1>, vector<8x128xi32>
      %and3A_286 = arith.constant 1 : i32
      %and3A_287 = vector.broadcast %and3A_286 : i32 to vector<8x128xi32>
      %and3A_288 = arith.andi %iota3A_106, %and3A_287 : vector<8x128xi32>
      %eq3A_289 = arith.constant 0 : i32
      %eq3A_290 = vector.broadcast %eq3A_289 : i32 to vector<8x128xi32>
      %eq3A_291 = arith.cmpi eq, %and3A_288, %eq3A_290 : vector<8x128xi32>
      %jit3A = arith.constant 0x7F800000 : f32
      %broadcast_in_dim3A = vector.broadcast %jit3A : f32 to vector<8x128xf32>
      %select_n3A_292 = arith.select %eq3A_291, %select_n3A_284, %broadcast_in_dim3A : vector<8x128xi1>, vector<8x128xf32>
      %reduce_min3A = vector.shape_cast %select_n3A_292 : vector<8x128xf32> to vector<1x8x128xf32>
      %reduce_min3A_293 = arith.constant dense<0x7F800000> : vector<1xf32>
      %reduce_min3A_294 = vector.multi_reduction <minimumf>, %reduce_min3A, %reduce_min3A_293 [1, 2] : vector<1x8x128xf32> to vector<1xf32>
      %reduce_min3A_295 = vector.shape_cast %reduce_min3A_294 : vector<1xf32> to vector<1x1x1xf32>
      %reduce_min3A_296 = vector.extract %reduce_min3A_295[0, 0, 0] : f32 from vector<1x1x1xf32>
      %eq3A_297 = vector.broadcast %reduce_min3A_296 : f32 to vector<8x128xf32>
      %eq3A_298 = arith.cmpf oeq, %select_n3A_292, %eq3A_297 : vector<8x128xf32>
      %jit3A_299 = arith.constant 2147483647 : i32
      %broadcast_in_dim3A_300 = vector.broadcast %jit3A_299 : i32 to vector<8x128xi32>
      %select_n3A_301 = arith.select %eq3A_298, %select_n3A_285, %broadcast_in_dim3A_300 : vector<8x128xi1>, vector<8x128xi32>
      %reduce_min3A_302 = vector.shape_cast %select_n3A_301 : vector<8x128xi32> to vector<1x8x128xi32>
      %reduce_min3A_303 = arith.constant dense<2147483647> : vector<1xi32>
      %reduce_min3A_304 = vector.multi_reduction <minsi>, %reduce_min3A_302, %reduce_min3A_303 [1, 2] : vector<1x8x128xi32> to vector<1xi32>
      %reduce_min3A_305 = vector.shape_cast %reduce_min3A_304 : vector<1xi32> to vector<1x1x1xi32>
      %reduce_min3A_306 = vector.extract %reduce_min3A_305[0, 0, 0] : i32 from vector<1x1x1xi32>
      %reshape3A = vector.broadcast %reduce_min3A_296 : f32 to vector<1x1xf32>
      %swap3A_307 = arith.constant 0 : index
      %swap3A_308 = arith.constant 0 : index
      %swap3A_309 = vector.load %arg2[%swap3A_307, %swap3A_308] : memref<1x1xf32, #tpu.memory_space<vmem>>, vector<1x1xf32>
      tpu.vector_store %arg2[%swap3A_307, %swap3A_308], %reshape3A {strides = array<i32>} : memref<1x1xf32, #tpu.memory_space<vmem>>, vector<1x1xf32>,
      %reshape3A_310 = vector.broadcast %reduce_min3A_306 : i32 to vector<1x1xi32>
      %swap3A_311 = arith.constant 0 : index
      %swap3A_312 = arith.constant 0 : index
      %swap3A_313 = vector.load %arg3[%swap3A_311, %swap3A_312] : memref<1x1xi32, #tpu.memory_space<vmem>>, vector<1x1xi32>
      tpu.vector_store %arg3[%swap3A_311, %swap3A_312], %reshape3A_310 {strides = array<i32>} : memref<1x1xi32, #tpu.memory_space<vmem>>, vector<1x1xi32>,
    } else {
    }
    return
  }
  func.func @transform_0(%arg0: i32) -> (i32, i32) {
    %add3A = arith.constant 38 : i32
    %add3A_0 = arith.addi %add3A, %arg0 : i32
    %c0_i32 = arith.constant 0 : i32
    %c0_i32_1 = arith.constant 0 : i32
    return %add3A_0, %c0_i32 : i32, i32
  }
  func.func @transform_1(%arg0: i32) -> (i32, i32) {
    %c0_i32 = arith.constant 0 : i32
    %c0_i32_0 = arith.constant 0 : i32
    %c0_i32_1 = arith.constant 0 : i32
    return %c0_i32, %c0_i32_0 : i32, i32
  }
  func.func @transform_2(%arg0: i32) -> (i32, i32) {
    %c0_i32 = arith.constant 0 : i32
    %c0_i32_0 = arith.constant 0 : i32
    %c0_i32_1 = arith.constant 0 : i32
    return %c0_i32, %c0_i32_0 : i32, i32
  }
}

</mosaic_0001>

<sc_bundles>
// kernel: kernel.5.cloned.1.call-start
scs
__scs_entry_jumppad:
0x0: {  	(pc) =	sbr.rel $0x88, $3  }
0x1: {  	(tag) =	ssettag $0x0;
	lr =	simm.s32 $0x1  }
0x2: {  	[smem:$0x3FA0] =	sst lr;
	_ =	strace $0xD0000000  }
0x3: {  	_ = 	snop  }
0x4: {  	_ = 	snop  }
0x5: {  	_ = 	snop  }
0x6: {  	_ = 	snop  }
0x7: {  	_ = 	snop  }
__scs_overlays_trampoline_lowered:
0x8: {  	[smem:$0x3FAF] =	sst s0  }
0x9: {  	[smem:$0x3FB0] =	sst s1  }
0xa: {  	[smem:$0x3FB1] =	sst s2  }
0xb: {  	[smem:$0x3FB2] =	sst s3  }
0xc: {  	[smem:$0x3FB3] =	sst s4  }
0xd: {  	[smem:$0x3FB4] =	sst s5  }
0xe: {  	[smem:$0x3FB5] =	sst s6  }
0xf: {  	[smem:$0x3FB6] =	sst s7  }
0x10: {  	[smem:$0x3FB7] =	sst s8  }
0x11: {  	[smem:$0x3FB8] =	sst s9;
	s0 =	simm.s32 @!p0 $0x0  }
0x12: {  	s1 =	sld [smem:$0x3F9E];
	s0 =	simm.s32 @p0 $0x1  }
0x13: {  	[smem:$0x3FB9] =	sst s0;
	s0 =	simm.s32 @!p1 $0x0  }
0x14: {  	s2 =	sld [smem:$0x3F9D];
	s0 =	simm.s32 @p1 $0x1  }
0x15: {  	[smem:$0x3FBA] =	sst s0;
	s0 =	simm.s32 @!p2 $0x0  }
0x16: {  	s3 =	sld [smem:$0x3FDB];
	s0 =	simm.s32 @p2 $0x1  }
0x17: {  	s4 =	simm.s32 $0x1BF5;
	[smem:$0x3FBC] =	sst s0  }
0x18: {  	s0 =	sld [smem:$0x3F9F];
	_ =	swait.ge [sflag:s4], $0x0  }
0x19: {  	s7 =	sld [smem:$0x3FA0]  }
0x1a: {  	s8 =	sadd.s32 $0xFFFFE003, lr  }
0x1b: {  	s9 =	sadd.s32 $0xFFFFFEF7, lr;
	s5 =	simm.s32 $0xFFFFFFFF;
	p2 =	slt.u32 s8, $0xFFFFF086  }
0x1c: {  	p1 =	slt.u32 s9, $0xF7A;
	s5 =	simm.s32 @!p2 $0x0  }
0x1d: {  	s5 =	simm.s32 @p1 $0x1;
	p0 =	seq.s32 s7, s2  }
0x1e: {  	s7 =	smul.u32 @!p0 $0xF7A, s2;
	p2 =	seq.s32 @!p0 s5, $0x0  }
0x1f: {  	s9 =	smul.u32 $0xF7A, s1;
	s8 =	simm.s32 @!p0 $0x1BF5;
	p2 =	por !p2, p0  }
0x20: {  	[sflag:s8] =	ssyncset.s32 @!p0 $0xFFFFF086;
	s6 =	sadd.s32 @!p0 s3, s7;
	s7 =	simm.s32 @!p0 $0x108  }
0x21: {  	s3 =	sadd.s32 s3, s9;
	s6 =	sadd.s32 @!p0 $0x88, s6;
	s7 =	simm.s32 @p2 $0x1082  }
0x22: {  	[simem:s7], [sflag:s8] =	dma.local @!p0 [hbm:s6], $0xF7A  }
0x23: {  	s9 =	sor.u32 $0xD0000000, s2;
	s6 =	simm.s32 $0x108;
	_ =	swait.ge @!p0 [sflag:s8], $0x0  }
0x24: {  	s3 =	sadd.s32 $0x88, s3;
	s6 =	simm.s32 @!p1 $0x1082;
	[sflag:s4] =	ssyncset.s32 $0xFFFFF086  }
0x25: {  	[simem:s6], [sflag:s4] =	dma.local [hbm:s3], $0xF7A  }
0x26: {  	[smem:$0x3FA0] =	sst s1;
	(tag) =	ssettag s2;
	_ =	strace s9  }
0x27: {  	s1 =	sld [smem:$0x3FB0]  }
0x28: {  	s2 =	sld [smem:$0x3FB1]  }
0x29: {  	s4 =	sld [smem:$0x3FB3]  }
0x2a: {  	p0 =	seq.s32 s5, $0x0;
	s5 =	sld [smem:$0x3FB4]  }
0x2b: {  	s6 =	sld [smem:$0x3FB5]  }
0x2c: {  	s7 =	sld [smem:$0x3FB6]  }
0x2d: {  	s3 =	simm.s32 $0x108;
	s8 =	sld [smem:$0x3FB7]  }
0x2e: {  	s3 =	simm.s32 @!p0 $0x1082;
	s9 =	sld [smem:$0x3FB8]  }
0x2f: {  	lr =	sadd.s32 s0, s3;
	s0 =	sld [smem:$0x3FAF]  }
0x30: {  	s3 =	sld [smem:$0x3FB2]  }
0x31: {  	[smem:$0x3FBB] =	sst s10  }
0x32: {  	s10 =	sld [smem:$0x3FB9];
	_ =	sdelay $0x3  }
0x33: {  	p0 =	seq.s32 s10, $0x1;
	s10 =	sld [smem:$0x3FBB];
	_ =	sdelay $0x3  }
0x34: {  	[smem:$0x3FBB] =	sst s10  }
0x35: {  	s10 =	sld [smem:$0x3FBA];
	_ =	sdelay $0x3  }
0x36: {  	p1 =	seq.s32 s10, $0x1;
	s10 =	sld [smem:$0x3FBB];
	_ =	sdelay $0x3  }
0x37: {  	[smem:$0x3FBB] =	sst s10  }
0x38: {  	s10 =	sld [smem:$0x3FBC]  }
0x39: {  	_ = 	snop;
	(pc) =	sbr.ind lr, $3  }
0x3a: {  	_ = 	snop  }
0x3b: {  	_ = 	snop  }
0x3c: {  	p2 =	seq.s32 s10, $0x1;
	s10 =	sld [smem:$0x3FBB]  }
0x3d: {  	_ =	shalt  }
0x3e: {  	_ =	shalt  }
0x3f: {  	_ =	shalt  }
0x40: {  	_ =	shalt  }
0x41: {  	_ =	shalt  }
0x42: {  	_ =	shalt  }
0x43: {  	_ =	shalt  }
0x44: {  	_ =	shalt  }
0x45: {  	_ =	shalt  }
0x46: {  	_ =	shalt  }
0x47: {  	_ =	shalt  }
0x48: {  	_ =	shalt  }
0x49: {  	_ =	shalt  }
0x4a: {  	_ =	shalt  }
0x4b: {  	_ =	shalt  }
0x4c: {  	_ =	shalt  }
0x4d: {  	_ =	shalt  }
0x4e: {  	_ =	shalt  }
0x4f: {  	_ =	shalt  }
0x50: {  	_ =	shalt  }
0x51: {  	_ =	shalt  }
0x52: {  	_ =	shalt  }
0x53: {  	_ =	shalt  }
0x54: {  	_ =	shalt  }
0x55: {  	_ =	shalt  }
0x56: {  	_ =	shalt  }
0x57: {  	_ =	shalt  }
0x58: {  	_ =	shalt  }
0x59: {  	_ =	shalt  }
0x5a: {  	_ =	shalt  }
0x5b: {  	_ =	shalt  }
0x5c: {  	_ =	shalt  }
0x5d: {  	_ =	shalt  }
0x5e: {  	_ =	shalt  }
0x5f: {  	_ =	shalt  }
0x60: {  	_ =	shalt  }
0x61: {  	_ =	shalt  }
0x62: {  	_ =	shalt  }
0x63: {  	_ =	shalt  }
0x64: {  	_ =	shalt  }
0x65: {  	_ =	shalt  }
0x66: {  	_ =	shalt  }
0x67: {  	_ =	shalt  }
0x68: {  	_ =	shalt  }
0x69: {  	_ =	shalt  }
0x6a: {  	_ =	shalt  }
0x6b: {  	_ =	shalt  }
0x6c: {  	_ =	shalt  }
0x6d: {  	_ =	shalt  }
0x6e: {  	_ =	shalt  }
0x6f: {  	_ =	shalt  }
0x70: {  	_ =	shalt  }
0x71: {  	_ =	shalt  }
0x72: {  	_ =	shalt  }
0x73: {  	_ =	shalt  }
0x74: {  	_ =	shalt  }
0x75: {  	_ =	shalt  }
0x76: {  	_ =	shalt  }
0x77: {  	_ =	shalt  }
0x78: {  	_ =	shalt  }
0x79: {  	_ =	shalt  }
0x7a: {  	_ =	shalt  }
0x7b: {  	_ =	shalt  }
0x7c: {  	_ =	shalt  }
0x7d: {  	_ =	shalt  }
0x7e: {  	_ =	shalt  }
0x7f: {  	_ =	shalt  }
0x80: {  	_ =	shalt  }
0x81: {  	_ =	shalt  }
0x82: {  	_ =	shalt  }
0x83: {  	_ =	shalt  }
0x84: {  	_ =	shalt  }
0x85: {  	_ =	shalt  }
0x86: {  	_ =	shalt  }
0x87: {  	_ =	shalt  }
.Lfunc_end0:
.L_simem_size_0:
called_computation_lowered:
.L_overlay_start_0:
0x88: {  	s2 =	sld [smem:$0x3FD9]  }
0x89: {  	s3 =	sld [smem:$0x3FFE];
	_ =	sdelay $0x1  }
0x8a: {  	s1 =	srdreg.scid  }
0x8b: {  	s0 =	sand.u32 $0x1, s1  }
0x8c: {  	s17 =	sshll.u32 s0, $0xA;
	s2 =	sadd.s32 s3, s2  }
0x8d: {  	s2 =	sadd.s32 s2, s17  }
0x8e: {  	[smem:$0x3FC7] =	sst s2  }
0x8f: {  	_ = 	snop  }
0x90: {  	s2 =	sld [smem:$0x3FC9];
	(tm) =	ssettm $0x1  }
0x91: {  	s18 =	sld [smem:$0x3FFB];
	_ =	sdelay $0x3  }
0x92: {  	_ =	strace s18  }
0x93: {  	s3 =	sld [smem:$0x3FFC];
	_ =	sdelay $0x3  }
0x94: {  	_ =	strace s3  }
0x95: {  	s3 =	sld [smem:$0x3FFD];
	_ =	sdelay $0x3  }
0x96: {  	_ =	strace s3  }
0x97: {  	_ =	strace $0x8FFFFFFF  }
0x98: {  	s19 =	sld [smem:$0x3FDB];
	_ =	sdelay $0x1  }
0x99: {  	s4 =	simm.s32 $_scs_section_size  }
0x9a: {  	s5 =	simm.s32 $_size__tile_overlayer_lowered;
	s6 =	simm.s32 $_tile_overlayer_lowered  }
0x9b: {  	s22 =	simm.s32 $0x1BFF;
	s21 =	sshll.u32 s6, $0x1;
	s3 =	sadd.s32 s4, s19  }
0x9c: {  	s7 =	simm.s32 $0x0;
	s20 =	sshll.u32 s5, $0x1;
	s5 =	sadd.s32 s21, s3  }
0x9d: {  	[timem:s7], [sflag:s22] =	dma.local [hbm:s5], s20  }
0x9e: {  	_ =	swait.ge [sflag:s22], s20  }
0x9f: {  	s4 =	ssub.s32 $0x0, s20;
	[sflag:s22] =	ssyncset.done $0x0  }
0xa0: {  	[sflag:s22] =	ssyncadd.s32 s4;
	_ =	sdelay $0x1  }
0xa1: {  	s23 =	simm.s32 $0x1B8B  }
0xa2: {  	_ =	swait.ge [sflag:s23], $0x1  }
0xa3: {  	[sflag:s23] =	ssyncset.done $0x0  }
0xa4: {  	s25 =	simm.s32 $0x1B8E;
	s24 =	sld [smem:$0x3FFE];
	[sflag:s23] =	ssyncadd.s32 $0xFFFFFFFF  }
0xa5: {  	s26 =	simm.s32 $execute0_lowered;
	[smem:$0x3FD2] =	sst s25  }
0xa6: {  	s5 =	sshll.u32 s26, $0x1;
	_ =	strace $0x80000046;
	[dreg:$0x1] =	wrdreg $0xFFFFFFFF  }
0xa7: {  	s28 =	simm.s32 $_size_execute0_lowered;
	s3 =	sadd.s32 s3, s5;
	[dreg:$0x0] =	wrdreg $0x0  }
0xa8: {  	s5 =	sshll.u32 s28, $0x1;
	[dreg:$0x2] =	wrdreg s3  }
0xa9: {  	[dreg:$0x3] =	wrdreg s5  }
0xaa: {  	[dreg:$0x4] =	wrdreg $0xC0  }
0xab: {  	_ =	task [dreg:s7], $0x5FFFF  }
0xac: {  	[dreg:$0x1] =	wrdreg $0xFFFFFFFF  }
0xad: {  	[dreg:$0x0] =	wrdreg $0x60  }
0xae: {  	[dreg:$0x2] =	wrdreg s2  }
0xaf: {  	[dreg:$0x3] =	wrdreg s24  }
0xb0: {  	[dreg:$0x4] =	wrdreg $0x9  }
0xb1: {  	_ =	task.clear_ibuf [dreg:s7], $0x5FFFF;
	_ =	strace $0x90000046  }
0xb2: {  	s29 =	simm.s32 $0x9;
	_ =	strace $0x80000048  }
0xb3: {  	_ =	swait.ge [sflag:s29], $0x1  }
0xb4: {  	[sflag:s29] =	ssyncadd.s32 $0xFFFFFFFF  }
0xb5: {  	_ =	strace $0x90000048  }
0xb6: {  	_ =	sfence  }
0xb7: {  	s30 =	sld [smem:$0x0];
	_ =	sdelay $0x2  }
0xb8: {  	s31 =	sshll.u32 s1, $0xD;
	s1 =	sshrl.u32 s1, $0x2  }
0xb9: {  	s3 =	sand.u32 $0x4000, s31;
	s1 =	sadd.s32 s1, s30  }
0xba: {  	s0 =	sor.u32 s3, s0;
	s1 =	sshll.u32 s1, $0x11  }
0xbb: {  	s0 =	sor.u32 s1, s0  }
0xbc: {  	s0 =	sadd.s32 $0x8F2B, s0  }
0xbd: {  	[sflag:s0] =	ssyncadd.remote.s32 $0x1  }
0xbe: {  	_ =	sfence.sel $0xFFFF  }
0xbf: {  	[dreg:$0x0] =	wrdreg $0xFFFFFFFF;
	(pc) =	sbr.abs _section_cstart, $3  }
0xc0: {  	[dreg:$0x1] =	wrdreg $0xFFFFFFFF  }
0xc1: {  	_ =	task.clear_ibuf [dreg:s7], $0x2FFFF;
	_ =	strace $0x9FFFFFFF  }
0xc2: {  	(tm) =	ssettm $0x7FFFFFFF  }
0xc3: {  	_ =	shalt  }
tec
execute0_lowered:
.L_overlay_start_1:
0x0: {  	(tag) =	ssettag $0x1  }
0x1: {  	s2 =	rddreg [dreg:$0x0];
	s0 =	srdreg.scid  }
0x2: {  	s3 =	stileid.u32;
	s1 =	rddreg [dreg:$0x1]  }
0x3: {  	s17 =	simm.s32 $0x6000;
	s18 =	simm.s32 $0x1;
	s19 =	simm.s32 $0x2  }
0x4: {  	s20 =	simm.s32 $0x3;
	s21 =	simm.s32 $0x4;
	s23 =	simm.s32 $0x5  }
0x5: {  	s25 =	simm.s32 $0x0;
	s0 =	sand.u32 $0x1, s0;
	s4 =	sshll.u32 s3, $0x1  }
0x6: {  	s26 =	simm.s32 $0x40;
	s3 =	simm.s32 $0x0;
	s4 =	sor.u32 s0, s4  }
0x7: {  	[smem:$0x7FF] =	sst s3;
	s0 =	ssub.s32 $0x2, s0;
	s15 =	smul.u32 $0x98000, s4  }
0x8: {  	v5 =	vlaneseq.u32;
	_ =	strace $0x80000047;
	s4 =	sshll.u32 s4, $0x4;
	s5 =	sshrl.u32 s0, $0x1  }
.Ltmp0:
0x9: {  	v1 =	vor.u32 $0x10, v5;
	v2 =	vor.u32 $0x20, v5;
	v3 =	vor.u32 $0x30, v5;
	s1 =	sadd.s32 s4, s1;
	s0 =	ssub.s32 s0, s5;
	(pc) =	sbr.rel .LBB2_1-.Ltmp0, $4  }
0xa: {  	v4 =	vor.u32 $0x40, v5;
	v6 =	vor.u32 $0x50, v5;
	v7 =	vor.u32 $0x60, v5;
	s6 =	sshrl.u32 s15, $0x3;
	s8 =	sadd.s32 $0x8000, s15;
	s9 =	sadd.s32 $0xA000, s15  }
0xb: {  	v8 =	vor.u32 $0x70, v5;
	s10 =	sadd.s32 $0xC000, s15;
	s11 =	sadd.s32 $0xE000, s15;
	v0 =	vor.u32 s15, v5;
	v1 =	vor.u32 s15, v1;
	s12 =	sadd.s32 $0xE00, s1  }
0xc: {  	s13 =	sadd.s32 $0x1000, s1;
	s14 =	smax.u32 s0, $0x1;
	v2 =	vor.u32 s15, v2;
	v3 =	vor.u32 s15, v3;
	v4 =	vor.u32 s15, v4;
	s4 =	sadd.s32 s2, s6  }
0xd: {  	v5 =	vor.u32 s15, v6;
	v6 =	vor.u32 s15, v7;
	v7 =	vor.u32 s15, v8;
	s5 =	sadd.s32 $0x400, s4;
	s6 =	sadd.s32 $0x800, s4;
	s7 =	sadd.s32 $0xC00, s4  }
.LBB2_12:
0xe: {  	v18 =	vshll.u32 v18, $0x7;
	v17 =	vshll.u32 v17, $0x7  }
0xf: {  	v18 =	vadd.s32 v0, v18;
	v17 =	vadd.s32 v1, v17  }
0x10: {  	vm0 =	veq.f32 v22, v21;
	vm1 =	vlt.s32 v17, v18  }
0x11: {  	vm2 =	vlt.f32 v22, v21;
	vm0 =	vmand vm0, vm1  }
0x12: {  	v16 =	vshll.u32 v16, $0x7;
	vm0 =	vmor vm2, vm0  }
0x13: {  	v16 =	vadd.s32 v2, v16;
	v57 =	vsel vm0, v22, v21;
	v17 =	vsel vm0, v17, v18  }
0x14: {  	vm10 =	veq.f32 v28, v57;
	vm11 =	vlt.s32 v16, v17  }
0x15: {  	vm12 =	vlt.f32 v28, v57;
	vm0 =	vmand vm10, vm11  }
0x16: {  	v15 =	vshll.u32 v15, $0x7;
	vm0 =	vmor vm12, vm0  }
0x17: {  	v15 =	vadd.s32 v3, v15;
	v58 =	vsel vm0, v28, v57;
	v16 =	vsel vm0, v16, v17  }
0x18: {  	vm13 =	veq.f32 v20, v58;
	vm14 =	vlt.s32 v15, v16  }
0x19: {  	vm15 =	vlt.f32 v20, v58;
	vm0 =	vmand vm13, vm14  }
0x1a: {  	v13 =	vshll.u32 v13, $0x7;
	vm0 =	vmor vm15, vm0  }
0x1b: {  	v13 =	vadd.s32 v4, v13;
	v59 =	vsel vm0, v20, v58;
	v15 =	vsel vm0, v15, v16  }
0x1c: {  	vm4 =	veq.f32 v14, v59;
	vm5 =	vlt.s32 v13, v15  }
0x1d: {  	vm6 =	vlt.f32 v14, v59;
	vm0 =	vmand vm4, vm5  }
0x1e: {  	v12 =	vshll.u32 v12, $0x7;
	vm0 =	vmor vm6, vm0  }
0x1f: {  	v12 =	vadd.s32 v5, v12;
	v60 =	vsel vm0, v14, v59;
	v13 =	vsel vm0, v13, v15  }
0x20: {  	vm7 =	veq.f32 v10, v60;
	vm8 =	vlt.s32 v12, v13  }
0x21: {  	vm9 =	vlt.f32 v10, v60;
	vm0 =	vmand vm7, vm8  }
0x22: {  	v9 =	vshll.u32 v9, $0x7;
	vm0 =	vmor vm9, vm0  }
0x23: {  	v9 =	vadd.s32 v6, v9;
	v61 =	vsel vm0, v10, v60;
	v12 =	vsel vm0, v12, v13  }
0x24: {  	vm10 =	veq.f32 v11, v61;
	vm11 =	vlt.s32 v9, v12  }
0x25: {  	vm12 =	vlt.f32 v11, v61;
	vm0 =	vmand vm10, vm11  }
0x26: {  	v62 =	vshll.u32 v19, $0x7;
	vm0 =	vmor vm12, vm0  }
0x27: {  	v63 =	vadd.s32 v7, v62;
	v10 =	vsel vm0, v11, v61;
	v9 =	vsel vm0, v9, v12  }
0x28: {  	vm13 =	veq.f32 v8, v10;
	vm14 =	vlt.s32 v63, v9  }
0x29: {  	vm15 =	vlt.f32 v8, v10;
	vm0 =	vmand vm13, vm14  }
0x2a: {  	vm0 =	vmor vm15, vm0  }
0x2b: {  	v8 =	vsel vm0, v8, v10  }
0x2c: {  	v9 =	vsel vm0, v63, v9;
	[tilespmem:$0x8000] =	vst v8  }
0x2d: {  	s0 =	simm.s32 $0x8000;
	[tilespmem:$0x8080] =	vst v9  }
0x2e: {  	[hbm4b:s12+s3] =	stream.linear.scatter [tilespmem:s0], [sflag:$0x5], $0x80, $0x38;
	[tilespmem:$0x8100] =	vst v63  }
0x2f: {  	s25 =	sadd.s32 $0x1, s25;
	_ =	swait.ge [sflag:s23], $0x80  }
0x30: {  	p0 =	sne.s32 s25, s14;
	[sflag:s23] =	ssyncset.done $0x0  }
.Ltmp1:
0x31: {  	s31 =	simm.s32 $0x8080;
	[sflag:s23] =	ssyncadd.s32 $0xFFFFFF80;
	(pc) =	sbr.rel @!p0 .LBB2_13-.Ltmp1, $4  }
0x32: {  	[hbm4b:s13+s3] =	stream.linear.scatter [tilespmem:s31], [sflag:$0x5], $0x80, $0x38;
	[tilespmem:$0x8100] =	vst v63  }
0x33: {  	_ =	swait.ge [sflag:s23], $0x80  }
0x34: {  	[sflag:s23] =	ssyncset.done $0x0  }
0x35: {  	[sflag:s23] =	ssyncadd.s32 $0xFFFFFF80  }
.LBB2_1:
0x36: {  	[tilespmem:s3], [sflag:$0x1] =	stream.linear.gather [hbm4b:s4+s3], $0x2000, $0x38;
	[tilespmem:$0x8100] =	vst v63  }
0x37: {  	s0 =	simm.s32 $0x2000;
	v10 =	vimm.f32 $+Inf  }
0x38: {  	v19 =	vimm.s32 $0x0;
	v9 =	vimm.s32 $0x0;
	v12 =	vimm.s32 $0x0;
	[tilespmem:s0], [sflag:$0x2] =	stream.linear.gather [hbm4b:s5+s3], $0x2000, $0x38;
	[tilespmem:$0x8100] =	vst v63  }
0x39: {  	s24 =	simm.s32 $0x4000;
	v13 =	vimm.s32 $0x0;
	v15 =	vimm.s32 $0x0;
	v16 =	vimm.s32 $0x0;
	s28 =	simm.s32 $0x80;
	s29 =	simm.s32 $0xC0  }
0x3a: {  	v17 =	vimm.s32 $0x0;
	v18 =	vimm.s32 $0x0;
	v8 =	vimm.f32 $+Inf;
	[tilespmem:s24], [sflag:$0x3] =	stream.linear.gather [hbm4b:s6+s3], $0x2000, $0x38;
	[tilespmem:$0x8100] =	vst v63  }
0x3b: {  	v11 =	vimm.f32 $+Inf;
	v14 =	vimm.f32 $+Inf;
	v20 =	vimm.f32 $+Inf;
	s30 =	simm.s32 $0x40;
	s31 =	simm.s32 $0x0;
	s1 =	simm.s32 $0x0  }
0x3c: {  	v28 =	vimm.f32 $+Inf;
	v22 =	vimm.f32 $+Inf;
	v21 =	vimm.f32 $+Inf;
	[tilespmem:s17], [sflag:$0x4] =	stream.linear.gather [hbm4b:s7+s3], $0x2000, $0x38;
	[tilespmem:$0x8100] =	vst v63  }
.LBB2_2:
0x3d: {  	_ =	swait.ge [sflag:s18], $0x2000  }
0x3e: {  	[sflag:s18] =	ssyncset.done $0x0  }
0x3f: {  	[sflag:s18] =	ssyncadd.s32 $0xFFFFE000  }
0x40: {  	v23 =	vld [tilespmem:s26+$0x30]  }
0x41: {  	v24 =	vld [tilespmem:s26+$0xFFFFFFC0]  }
0x42: {  	v26 =	vld [tilespmem:s26+$0xFFFFFFD0]  }
0x43: {  	v27 =	vld [tilespmem:s26+$0xFFFFFFE0]  }
0x44: {  	v29 =	vld [tilespmem:s26+$0xFFFFFFF0]  }
0x45: {  	v30 =	vld [tilespmem:s26+$0x0]  }
0x46: {  	v34 =	vld [tilespmem:s26+$0x10]  }
0x47: {  	v25 =	vand.u32 $0x7FFFFFFF, v23  }
0x48: {  	s15 =	sadd.s32 $0x0, s31;
	v31 =	vand.u32 $0x7FFFFFFF, v24;
	v26 =	vand.u32 $0x7FFFFFFF, v26;
	vm0 =	vlt.f32 v25, v8  }
0x49: {  	v32 =	vld [tilespmem:s26+$0x20];
	v24 =	vmin.f32 v31, v21;
	vm1 =	vlt.f32 v26, v22;
	v23 =	vsel vm0, s15, v19  }
0x4a: {  	vm0 =	vlt.f32 v31, v21;
	v21 =	vmin.f32 v26, v22;
	v26 =	vand.u32 $0x7FFFFFFF, v29  }
0x4b: {  	v33 =	vand.u32 $0x7FFFFFFF, v30;
	v34 =	vand.u32 $0x7FFFFFFF, v34;
	v30 =	vmovc v10;
	v19 =	vand.u32 $0x7FFFFFFF, v27  }
0x4c: {  	s16 =	simm.s32 $0xC0;
	v29 =	vmovc v24;
	v22 =	vmin.f32 v19, v28;
	vm2 =	vlt.f32 v19, v28;
	v19 =	vmin.f32 v26, v20  }
0x4d: {  	s22 =	simm.s32 $0x1;
	s0 =	simm.s32 $0x2;
	v31 =	vld [tilespmem:s16+$0x30];
	vm3 =	vlt.f32 v26, v20;
	v20 =	vmin.f32 v33, v14;
	v28 =	vmovc v21;
	v27 =	vmovc v22;
	v26 =	vmov v19  }
.LBB2_3:
0x4e: {  	p0 =	sne.s32 s0, $0x3F;
	v35 =	vld [tilespmem:s16+$0xFFFFFFC0];
	vm4 =	vlt.f32 v33, v14;
	v10 =	vmin.f32 v34, v10;
	v32 =	vand.u32 $0x7FFFFFFF, v32;
	v14 =	vmovc v20  }
0x4f: {  	vm5 =	vlt.f32 v34, v30;
	v33 =	vld [tilespmem:s16+$0xFFFFFFD0];
	vm6 =	vlt.f32 v32, v11;
	v11 =	vmin.f32 v32, v11;
	v30 =	vmovc v10  }
0x50: {  	v18 =	vsel vm0, s15, v18;
	v17 =	vsel vm1, s15, v17;
	v16 =	vsel vm2, s15, v16;
	v34 =	vld [tilespmem:s16+$0xFFFFFFE0]  }
0x51: {  	v15 =	vsel vm3, s15, v15;
	v13 =	vsel vm4, s15, v13;
	v12 =	vsel vm5, s15, v12;
	v36 =	vld [tilespmem:s16+$0xFFFFFFF0]  }
0x52: {  	v8 =	vmin.f32 v25, v8;
	v9 =	vsel vm6, s15, v9;
	v37 =	vld [tilespmem:s16+$0x0];
	v25 =	vand.u32 $0x7FFFFFFF, v31  }
0x53: {  	s15 =	sadd.s32 s22, s31;
	s22 =	smov.u32 s0;
	v31 =	vand.u32 $0x7FFFFFFF, v35;
	v35 =	vld [tilespmem:s16+$0x10];
	vm0 =	vlt.f32 v25, v8  }
.Ltmp2:
0x54: {  	v24 =	vmin.f32 v31, v24;
	v33 =	vand.u32 $0x7FFFFFFF, v33;
	v32 =	vld [tilespmem:s16+$0x20];
	v23 =	vsel vm0, s15, v23;
	(pc) =	sbr.rel @p0 .LBB2_3-.Ltmp2, $4  }
0x55: {  	vm0 =	vlt.f32 v31, v29;
	v21 =	vmin.f32 v33, v21;
	v31 =	vand.u32 $0x7FFFFFFF, v34;
	v29 =	vmovc v24  }
0x56: {  	vm1 =	vlt.f32 v33, v28;
	v22 =	vmin.f32 v31, v22;
	v34 =	vand.u32 $0x7FFFFFFF, v36;
	v28 =	vmovc v21  }
0x57: {  	s16 =	sadd.s32 $0x80, s16;
	vm2 =	vlt.f32 v31, v27;
	v19 =	vmin.f32 v34, v19;
	v33 =	vand.u32 $0x7FFFFFFF, v37;
	v27 =	vmovc v22  }
0x58: {  	s0 =	sadd.s32 $0x1, s0;
	vm3 =	vlt.f32 v34, v26;
	v31 =	vld [tilespmem:s16+$0x30];
	v20 =	vmin.f32 v33, v20;
	v34 =	vand.u32 $0x7FFFFFFF, v35;
	v26 =	vmovc v19  }
0x59: {  	v35 =	vld [tilespmem:s16+$0xFFFFFFC0]  }
0x5a: {  	vm4 =	vlt.f32 v33, v14;
	v14 =	vld [tilespmem:s16+$0xFFFFFFD0]  }
0x5b: {  	vm5 =	vlt.f32 v34, v30;
	v30 =	vld [tilespmem:s16+$0xFFFFFFE0]  }
0x5c: {  	v10 =	vmin.f32 v34, v10;
	v32 =	vand.u32 $0x7FFFFFFF, v32;
	v18 =	vsel vm0, s15, v18;
	v60 =	vld [tilespmem:s16+$0xFFFFFFF0];
	s0 =	sshll.u32 s1, $0xF;
	p0 =	seq.s32 s1, $0x12  }
0x5d: {  	v17 =	vsel vm1, s15, v17;
	v16 =	vsel vm2, s15, v16;
	v15 =	vsel vm3, s15, v15;
	v61 =	vld [tilespmem:s16+$0x0];
	s24 =	sadd.s32 @!p0 s0, s8  }
0x5e: {  	v62 =	vld [tilespmem:s16+$0x10];
	v8 =	vmin.f32 v25, v8;
	vm6 =	vlt.f32 v32, v11;
	v13 =	vsel vm4, s15, v13;
	s24 =	sshrl.u32 @!p0 s24, $0x3  }
0x5f: {  	v63 =	vld [tilespmem:s16+$0x20];
	v12 =	vsel vm5, s15, v12;
	v9 =	vsel vm6, s15, v9;
	s15 =	sadd.s32 s22, s31;
	s22 =	simm.s32 @!p0 $0x0;
	s16 =	sadd.s32 @!p0 s2, s24;
	v31 =	vand.u32 $0x7FFFFFFF, v31  }
0x60: {  	v11 =	vmin.f32 v32, v11;
	[tilespmem:s22], [sflag:$0x1] =	stream.linear.gather @!p0 [hbm4b:s16+s22], $0x2000, $0x38;
	v25 =	vand.u32 $0x7FFFFFFF, v35;
	vm0 =	vlt.f32 v31, v8;
	[tilespmem:$0x8100] =	vst v63  }
0x61: {  	v14 =	vand.u32 $0x7FFFFFFF, v14;
	_ =	swait.ge [sflag:s19], $0x2000;
	v37 =	vsel vm0, s15, v23;
	vm0 =	vlt.f32 v25, v29  }
0x62: {  	v23 =	vand.u32 $0x7FFFFFFF, v30;
	v29 =	vmin.f32 v14, v21;
	vm1 =	vlt.f32 v14, v28;
	[sflag:s19] =	ssyncset.done $0x0  }
0x63: {  	s24 =	simm.s32 $0x2040;
	v14 =	vand.u32 $0x7FFFFFFF, v60;
	v28 =	vmin.f32 v23, v22;
	vm2 =	vlt.f32 v23, v27;
	[sflag:s19] =	ssyncadd.s32 $0xFFFFE000  }
0x64: {  	v22 =	vand.u32 $0x7FFFFFFF, v61;
	v27 =	vmin.f32 v14, v19;
	vm3 =	vlt.f32 v14, v26;
	v14 =	vld [tilespmem:s24+$0x30]  }
0x65: {  	v36 =	vmin.f32 v25, v24;
	v19 =	vand.u32 $0x7FFFFFFF, v62;
	v21 =	vmin.f32 v22, v20;
	v26 =	vld [tilespmem:s24+$0xFFFFFFC0]  }
0x66: {  	vm4 =	vlt.f32 v22, v20;
	v25 =	vmin.f32 v19, v10;
	vm5 =	vlt.f32 v19, v10;
	v10 =	vld [tilespmem:s24+$0xFFFFFFD0]  }
0x67: {  	v20 =	vand.u32 $0x7FFFFFFF, v63;
	v22 =	vsel vm0, s15, v18;
	v18 =	vsel vm1, s15, v17;
	v30 =	vld [tilespmem:s24+$0xFFFFFFF0]  }
0x68: {  	v23 =	vsel vm2, s15, v16;
	v19 =	vsel vm5, s15, v12;
	v12 =	vmin.f32 v31, v8;
	v31 =	vld [tilespmem:s24+$0x0]  }
0x69: {  	v24 =	vsel vm3, s15, v15;
	vm15 =	vlt.f32 v20, v11;
	v20 =	vmin.f32 v20, v11;
	v11 =	vld [tilespmem:s24+$0xFFFFFFE0]  }
0x6a: {  	v16 =	vsel vm4, s15, v13;
	v17 =	vsel vm15, s15, v9;
	v15 =	vand.u32 $0x7FFFFFFF, v14  }
0x6b: {  	v8 =	vand.u32 $0x7FFFFFFF, v26;
	v26 =	vld [tilespmem:s24+$0x10];
	v9 =	vand.u32 $0x7FFFFFFF, v10;
	vm0 =	vlt.f32 v15, v12  }
0x6c: {  	v32 =	vld [tilespmem:s24+$0x20];
	s15 =	sadd.s32 $0x0, s30;
	v14 =	vmin.f32 v8, v36;
	v10 =	vmin.f32 v9, v29;
	vm1 =	vlt.f32 v9, v29  }
0x6d: {  	v9 =	vand.u32 $0x7FFFFFFF, v30;
	v33 =	vand.u32 $0x7FFFFFFF, v31;
	v13 =	vsel vm0, s15, v37  }
0x6e: {  	v30 =	vmovc v25;
	vm0 =	vlt.f32 v8, v36;
	v8 =	vand.u32 $0x7FFFFFFF, v11;
	vm3 =	vlt.f32 v9, v27  }
0x6f: {  	s16 =	simm.s32 $0x20C0;
	v29 =	vmovc v14;
	v11 =	vmin.f32 v8, v28;
	vm2 =	vlt.f32 v8, v28;
	v8 =	vmin.f32 v9, v27  }
0x70: {  	s22 =	simm.s32 $0x1;
	s24 =	simm.s32 $0x2;
	v31 =	vld [tilespmem:s16+$0x30];
	v9 =	vmin.f32 v33, v21;
	v28 =	vmovc v10;
	v27 =	vmovc v11;
	v34 =	vand.u32 $0x7FFFFFFF, v26;
	v26 =	vmov v8  }
.LBB2_5:
0x71: {  	p1 =	sne.s32 s24, $0x3F;
	v35 =	vld [tilespmem:s16+$0xFFFFFFC0];
	vm4 =	vlt.f32 v33, v21;
	v25 =	vmin.f32 v34, v25;
	v32 =	vand.u32 $0x7FFFFFFF, v32;
	v21 =	vmovc v9  }
0x72: {  	vm5 =	vlt.f32 v34, v30;
	v33 =	vld [tilespmem:s16+$0xFFFFFFD0];
	vm6 =	vlt.f32 v32, v20;
	v20 =	vmin.f32 v32, v20;
	v30 =	vmovc v25  }
0x73: {  	v22 =	vsel vm0, s15, v22;
	v18 =	vsel vm1, s15, v18;
	v23 =	vsel vm2, s15, v23;
	v34 =	vld [tilespmem:s16+$0xFFFFFFE0]  }
0x74: {  	v24 =	vsel vm3, s15, v24;
	v16 =	vsel vm4, s15, v16;
	v19 =	vsel vm5, s15, v19;
	v36 =	vld [tilespmem:s16+$0xFFFFFFF0]  }
0x75: {  	v12 =	vmin.f32 v15, v12;
	v17 =	vsel vm6, s15, v17;
	v37 =	vld [tilespmem:s16+$0x0];
	v15 =	vand.u32 $0x7FFFFFFF, v31  }
0x76: {  	s15 =	sadd.s32 s22, s30;
	s22 =	smov.u32 s24;
	v31 =	vand.u32 $0x7FFFFFFF, v35;
	v35 =	vld [tilespmem:s16+$0x10];
	vm0 =	vlt.f32 v15, v12  }
.Ltmp3:
0x77: {  	v14 =	vmin.f32 v31, v14;
	v33 =	vand.u32 $0x7FFFFFFF, v33;
	v32 =	vld [tilespmem:s16+$0x20];
	v13 =	vsel vm0, s15, v13;
	(pc) =	sbr.rel @p1 .LBB2_5-.Ltmp3, $4  }
0x78: {  	vm0 =	vlt.f32 v31, v29;
	v10 =	vmin.f32 v33, v10;
	v31 =	vand.u32 $0x7FFFFFFF, v34;
	v29 =	vmovc v14  }
0x79: {  	vm1 =	vlt.f32 v33, v28;
	v11 =	vmin.f32 v31, v11;
	v34 =	vand.u32 $0x7FFFFFFF, v36;
	v28 =	vmovc v10  }
0x7a: {  	s16 =	sadd.s32 $0x80, s16;
	vm2 =	vlt.f32 v31, v27;
	v8 =	vmin.f32 v34, v8;
	v33 =	vand.u32 $0x7FFFFFFF, v37;
	v27 =	vmovc v11  }
0x7b: {  	s24 =	sadd.s32 $0x1, s24;
	vm3 =	vlt.f32 v34, v26;
	v31 =	vld [tilespmem:s16+$0x30];
	v9 =	vmin.f32 v33, v9;
	v34 =	vand.u32 $0x7FFFFFFF, v35;
	v26 =	vmovc v8  }
0x7c: {  	v35 =	vld [tilespmem:s16+$0xFFFFFFC0]  }
0x7d: {  	vm4 =	vlt.f32 v33, v21;
	v21 =	vld [tilespmem:s16+$0xFFFFFFD0]  }
0x7e: {  	vm5 =	vlt.f32 v34, v30;
	v30 =	vld [tilespmem:s16+$0xFFFFFFE0]  }
0x7f: {  	v60 =	vmin.f32 v34, v25;
	v25 =	vand.u32 $0x7FFFFFFF, v32;
	v61 =	vld [tilespmem:s16+$0x10]  }
0x80: {  	v22 =	vsel vm0, s15, v22;
	v18 =	vsel vm1, s15, v18;
	v23 =	vsel vm2, s15, v23;
	s24 =	sadd.s32 @!p0 s0, s9;
	v62 =	vld [tilespmem:s16+$0x20]  }
0x81: {  	v24 =	vsel vm3, s15, v24;
	vm6 =	vlt.f32 v25, v20;
	v32 =	vmin.f32 v25, v20;
	v20 =	vld [tilespmem:s16+$0xFFFFFFF0];
	s24 =	sshrl.u32 @!p0 s24, $0x3  }
0x82: {  	v25 =	vld [tilespmem:s16+$0x0];
	v16 =	vsel vm4, s15, v16;
	v19 =	vsel vm5, s15, v19;
	s16 =	simm.s32 @!p0 $0x0;
	v17 =	vsel vm6, s15, v17;
	s15 =	sadd.s32 @!p0 s2, s24;
	s24 =	simm.s32 @!p0 $0x2000  }
0x83: {  	v12 =	vmin.f32 v15, v12;
	[tilespmem:s24], [sflag:$0x2] =	stream.linear.gather @!p0 [hbm4b:s15+s16], $0x2000, $0x38;
	v31 =	vand.u32 $0x7FFFFFFF, v31;
	[tilespmem:$0x8100] =	vst v63  }
0x84: {  	_ =	swait.ge [sflag:s20], $0x2000;
	v15 =	vand.u32 $0x7FFFFFFF, v35;
	vm0 =	vlt.f32 v31, v12  }
0x85: {  	s22 =	sadd.s32 s22, s30;
	[sflag:s20] =	ssyncset.done $0x0;
	v12 =	vmin.f32 v31, v12;
	v36 =	vmin.f32 v15, v14;
	v14 =	vand.u32 $0x7FFFFFFF, v21  }
0x86: {  	s24 =	simm.s32 $0x4040;
	v13 =	vsel vm0, s22, v13;
	vm0 =	vlt.f32 v15, v29;
	v15 =	vand.u32 $0x7FFFFFFF, v30;
	[sflag:s20] =	ssyncadd.s32 $0xFFFFE000  }
0x87: {  	v29 =	vmin.f32 v14, v10;
	vm1 =	vlt.f32 v14, v28;
	v28 =	vmin.f32 v15, v11;
	v30 =	vld [tilespmem:s24+$0x0]  }
0x88: {  	v10 =	vand.u32 $0x7FFFFFFF, v20;
	vm2 =	vlt.f32 v15, v27;
	v11 =	vand.u32 $0x7FFFFFFF, v25;
	v63 =	vld [tilespmem:s24+$0x10]  }
0x89: {  	v22 =	vsel vm0, s22, v22;
	v27 =	vmin.f32 v10, v8;
	vm3 =	vlt.f32 v10, v26;
	v8 =	vld [tilespmem:s24+$0x30]  }
0x8a: {  	v20 =	vmin.f32 v11, v9;
	v10 =	vand.u32 $0x7FFFFFFF, v61;
	vm4 =	vlt.f32 v11, v9;
	v11 =	vld [tilespmem:s24+$0xFFFFFFC0]  }
0x8b: {  	v9 =	vand.u32 $0x7FFFFFFF, v62;
	v25 =	vmin.f32 v10, v60;
	vm5 =	vlt.f32 v10, v60;
	v10 =	vld [tilespmem:s24+$0xFFFFFFD0]  }
0x8c: {  	v18 =	vsel vm1, s22, v18;
	v23 =	vsel vm2, s22, v23;
	v26 =	vld [tilespmem:s24+$0xFFFFFFF0];
	vm15 =	vlt.f32 v9, v32  }
0x8d: {  	v21 =	vmin.f32 v9, v32;
	v9 =	vld [tilespmem:s24+$0xFFFFFFE0];
	v24 =	vsel vm3, s22, v24;
	v16 =	vsel vm4, s22, v16  }
0x8e: {  	v19 =	vsel vm5, s22, v19;
	v17 =	vsel vm15, s22, v17;
	v33 =	vand.u32 $0x7FFFFFFF, v30  }
0x8f: {  	v34 =	vand.u32 $0x7FFFFFFF, v63;
	v15 =	vand.u32 $0x7FFFFFFF, v8;
	v8 =	vand.u32 $0x7FFFFFFF, v11  }
0x90: {  	s15 =	sadd.s32 $0x0, s28;
	v32 =	vld [tilespmem:s24+$0x20];
	vm0 =	vlt.f32 v15, v12;
	v14 =	vmin.f32 v8, v36;
	v11 =	vand.u32 $0x7FFFFFFF, v10  }
0x91: {  	v13 =	vsel vm0, s15, v13;
	vm0 =	vlt.f32 v8, v36;
	v10 =	vmin.f32 v11, v29  }
0x92: {  	v30 =	vmovc v25;
	v8 =	vand.u32 $0x7FFFFFFF, v9;
	vm1 =	vlt.f32 v11, v29;
	v9 =	vand.u32 $0x7FFFFFFF, v26  }
0x93: {  	s16 =	simm.s32 $0x40C0;
	v29 =	vmovc v14;
	v11 =	vmin.f32 v8, v28;
	vm2 =	vlt.f32 v8, v28;
	v8 =	vmin.f32 v9, v27  }
0x94: {  	v31 =	vld [tilespmem:s16+$0x30];
	s24 =	simm.s32 $0x2;
	s22 =	simm.s32 $0x1;
	vm3 =	vlt.f32 v9, v27;
	v9 =	vmin.f32 v33, v20;
	v28 =	vmovc v10;
	v27 =	vmovc v11;
	v26 =	vmov v8  }
.LBB2_7:
0x95: {  	p1 =	sne.s32 s24, $0x3F;
	v35 =	vld [tilespmem:s16+$0xFFFFFFC0];
	vm4 =	vlt.f32 v33, v20;
	v25 =	vmin.f32 v34, v25;
	v32 =	vand.u32 $0x7FFFFFFF, v32;
	v20 =	vmovc v9  }
0x96: {  	vm5 =	vlt.f32 v34, v30;
	v33 =	vld [tilespmem:s16+$0xFFFFFFD0];
	vm6 =	vlt.f32 v32, v21;
	v21 =	vmin.f32 v32, v21;
	v30 =	vmovc v25  }
0x97: {  	v22 =	vsel vm0, s15, v22;
	v18 =	vsel vm1, s15, v18;
	v23 =	vsel vm2, s15, v23;
	v34 =	vld [tilespmem:s16+$0xFFFFFFE0]  }
0x98: {  	v24 =	vsel vm3, s15, v24;
	v16 =	vsel vm4, s15, v16;
	v19 =	vsel vm5, s15, v19;
	v36 =	vld [tilespmem:s16+$0xFFFFFFF0]  }
0x99: {  	v12 =	vmin.f32 v15, v12;
	v17 =	vsel vm6, s15, v17;
	v37 =	vld [tilespmem:s16+$0x0];
	v15 =	vand.u32 $0x7FFFFFFF, v31  }
0x9a: {  	s15 =	sadd.s32 s22, s28;
	s22 =	smov.u32 s24;
	v31 =	vand.u32 $0x7FFFFFFF, v35;
	v35 =	vld [tilespmem:s16+$0x10];
	vm0 =	vlt.f32 v15, v12  }
.Ltmp4:
0x9b: {  	v14 =	vmin.f32 v31, v14;
	v33 =	vand.u32 $0x7FFFFFFF, v33;
	v32 =	vld [tilespmem:s16+$0x20];
	v13 =	vsel vm0, s15, v13;
	(pc) =	sbr.rel @p1 .LBB2_7-.Ltmp4, $4  }
0x9c: {  	vm0 =	vlt.f32 v31, v29;
	v10 =	vmin.f32 v33, v10;
	v31 =	vand.u32 $0x7FFFFFFF, v34;
	v29 =	vmovc v14  }
0x9d: {  	vm1 =	vlt.f32 v33, v28;
	v11 =	vmin.f32 v31, v11;
	v34 =	vand.u32 $0x7FFFFFFF, v36;
	v28 =	vmovc v10  }
0x9e: {  	s16 =	sadd.s32 $0x80, s16;
	vm2 =	vlt.f32 v31, v27;
	v8 =	vmin.f32 v34, v8;
	v33 =	vand.u32 $0x7FFFFFFF, v37;
	v27 =	vmovc v11  }
0x9f: {  	s24 =	sadd.s32 $0x1, s24;
	vm3 =	vlt.f32 v34, v26;
	v31 =	vld [tilespmem:s16+$0x30];
	v9 =	vmin.f32 v33, v9;
	v34 =	vand.u32 $0x7FFFFFFF, v35;
	v26 =	vmovc v8  }
0xa0: {  	v35 =	vld [tilespmem:s16+$0xFFFFFFC0]  }
0xa1: {  	vm4 =	vlt.f32 v33, v20;
	v20 =	vld [tilespmem:s16+$0xFFFFFFD0]  }
0xa2: {  	vm5 =	vlt.f32 v34, v30;
	v30 =	vld [tilespmem:s16+$0xFFFFFFE0]  }
0xa3: {  	v25 =	vmin.f32 v34, v25;
	v59 =	vld [tilespmem:s16+$0xFFFFFFF0]  }
0xa4: {  	v32 =	vand.u32 $0x7FFFFFFF, v32;
	v22 =	vsel vm0, s15, v22;
	v60 =	vsel vm1, s15, v18;
	v18 =	vld [tilespmem:s16+$0x0];
	s24 =	sadd.s32 @!p0 s0, s10  }
0xa5: {  	v61 =	vsel vm2, s15, v23;
	v24 =	vsel vm3, s15, v24;
	v23 =	vld [tilespmem:s16+$0x20];
	vm6 =	vlt.f32 v32, v21;
	s24 =	sshrl.u32 @!p0 s24, $0x3  }
0xa6: {  	v16 =	vsel vm4, s15, v16;
	v36 =	vsel vm5, s15, v19;
	v19 =	vld [tilespmem:s16+$0x10];
	s16 =	simm.s32 @!p0 $0x0;
	v17 =	vsel vm6, s15, v17;
	s15 =	sadd.s32 @!p0 s2, s24;
	s24 =	simm.s32 @!p0 $0x4000  }
0xa7: {  	v15 =	vmin.f32 v15, v12;
	[tilespmem:s24], [sflag:$0x3] =	stream.linear.gather @!p0 [hbm4b:s15+s16], $0x2000, $0x38;
	v31 =	vand.u32 $0x7FFFFFFF, v31;
	v12 =	vand.u32 $0x7FFFFFFF, v35;
	[tilespmem:$0x8100] =	vst v63  }
0xa8: {  	s22 =	sadd.s32 s22, s28;
	v21 =	vmin.f32 v32, v21;
	_ =	swait.ge [sflag:s21], $0x2000;
	vm0 =	vlt.f32 v31, v15;
	v35 =	vmin.f32 v12, v14  }
0xa9: {  	[sflag:s21] =	ssyncset.done $0x0;
	v14 =	vand.u32 $0x7FFFFFFF, v20;
	v37 =	vsel vm0, s22, v13;
	vm0 =	vlt.f32 v12, v29  }
0xaa: {  	s24 =	simm.s32 $0x6040;
	v12 =	vand.u32 $0x7FFFFFFF, v30;
	[sflag:s21] =	ssyncadd.s32 $0xFFFFE000;
	v29 =	vmin.f32 v14, v10;
	vm1 =	vlt.f32 v14, v28  }
0xab: {  	v28 =	vmin.f32 v12, v11;
	v10 =	vand.u32 $0x7FFFFFFF, v59;
	vm2 =	vlt.f32 v12, v27;
	v30 =	vld [tilespmem:s24+$0xFFFFFFC0]  }
0xac: {  	v11 =	vand.u32 $0x7FFFFFFF, v18;
	v62 =	vld [tilespmem:s24+$0xFFFFFFE0];
	v27 =	vmin.f32 v10, v8;
	vm3 =	vlt.f32 v10, v26  }
0xad: {  	v63 =	vld [tilespmem:s24+$0xFFFFFFF0];
	v10 =	vmin.f32 v11, v9;
	v8 =	vand.u32 $0x7FFFFFFF, v19;
	vm4 =	vlt.f32 v11, v9  }
0xae: {  	v26 =	vld [tilespmem:s24+$0x30];
	v9 =	vand.u32 $0x7FFFFFFF, v23;
	v11 =	vsel vm0, s22, v22;
	v12 =	vsel vm1, s22, v60  }
0xaf: {  	v19 =	vsel vm2, s22, v61;
	v23 =	vmin.f32 v8, v25;
	vm5 =	vlt.f32 v8, v25;
	v25 =	vld [tilespmem:s24+$0xFFFFFFD0]  }
0xb0: {  	vm15 =	vlt.f32 v9, v21;
	v18 =	vmin.f32 v9, v21;
	v8 =	vmin.f32 v31, v15;
	v31 =	vld [tilespmem:s24+$0x0]  }
0xb1: {  	v13 =	vsel vm3, s22, v24;
	v14 =	vsel vm4, s22, v16;
	v20 =	vsel vm5, s22, v36  }
0xb2: {  	v24 =	vsel vm15, s22, v17;
	v9 =	vand.u32 $0x7FFFFFFF, v30;
	v17 =	vand.u32 $0x7FFFFFFF, v62  }
0xb3: {  	v21 =	vand.u32 $0x7FFFFFFF, v26;
	v26 =	vld [tilespmem:s24+$0x10];
	v22 =	vmin.f32 v9, v35;
	vm2 =	vlt.f32 v17, v28  }
0xb4: {  	s15 =	sadd.s32 $0x0, s29;
	v32 =	vld [tilespmem:s24+$0x20];
	vm0 =	vlt.f32 v21, v8;
	v16 =	vand.u32 $0x7FFFFFFF, v25;
	v25 =	vand.u32 $0x7FFFFFFF, v63  }
0xb5: {  	v33 =	vand.u32 $0x7FFFFFFF, v31;
	v15 =	vsel vm0, s15, v37;
	vm0 =	vlt.f32 v9, v35  }
0xb6: {  	v9 =	vmin.f32 v16, v29;
	vm1 =	vlt.f32 v16, v29;
	v16 =	vmin.f32 v17, v28  }
0xb7: {  	s16 =	simm.s32 $0x60C0;
	v30 =	vmovc v23;
	v17 =	vmin.f32 v25, v27;
	vm3 =	vlt.f32 v25, v27;
	v25 =	vmin.f32 v33, v10  }
0xb8: {  	s22 =	simm.s32 $0x1;
	s24 =	simm.s32 $0x2;
	v31 =	vld [tilespmem:s16+$0x30];
	v29 =	vmovc v22;
	v28 =	vmovc v9;
	v27 =	vmov v16;
	v34 =	vand.u32 $0x7FFFFFFF, v26;
	v26 =	vmov v17  }
.LBB2_9:
0xb9: {  	p1 =	sne.s32 s24, $0x3F;
	v35 =	vld [tilespmem:s16+$0xFFFFFFC0];
	vm4 =	vlt.f32 v33, v10;
	v23 =	vmin.f32 v34, v23;
	v32 =	vand.u32 $0x7FFFFFFF, v32;
	v10 =	vmovc v25  }
0xba: {  	vm5 =	vlt.f32 v34, v30;
	v33 =	vld [tilespmem:s16+$0xFFFFFFD0];
	vm6 =	vlt.f32 v32, v18;
	v18 =	vmin.f32 v32, v18;
	v30 =	vmovc v23  }
0xbb: {  	v11 =	vsel vm0, s15, v11;
	v12 =	vsel vm1, s15, v12;
	v19 =	vsel vm2, s15, v19;
	v34 =	vld [tilespmem:s16+$0xFFFFFFE0]  }
0xbc: {  	v13 =	vsel vm3, s15, v13;
	v14 =	vsel vm4, s15, v14;
	v20 =	vsel vm5, s15, v20;
	v36 =	vld [tilespmem:s16+$0xFFFFFFF0]  }
0xbd: {  	v8 =	vmin.f32 v21, v8;
	v24 =	vsel vm6, s15, v24;
	v37 =	vld [tilespmem:s16+$0x0];
	v21 =	vand.u32 $0x7FFFFFFF, v31  }
0xbe: {  	s15 =	sadd.s32 s22, s29;
	s22 =	smov.u32 s24;
	v31 =	vand.u32 $0x7FFFFFFF, v35;
	v35 =	vld [tilespmem:s16+$0x10];
	vm0 =	vlt.f32 v21, v8  }
.Ltmp5:
0xbf: {  	v22 =	vmin.f32 v31, v22;
	v33 =	vand.u32 $0x7FFFFFFF, v33;
	v32 =	vld [tilespmem:s16+$0x20];
	v15 =	vsel vm0, s15, v15;
	(pc) =	sbr.rel @p1 .LBB2_9-.Ltmp5, $4  }
0xc0: {  	vm0 =	vlt.f32 v31, v29;
	v9 =	vmin.f32 v33, v9;
	v31 =	vand.u32 $0x7FFFFFFF, v34;
	v29 =	vmovc v22  }
0xc1: {  	vm1 =	vlt.f32 v33, v28;
	v16 =	vmin.f32 v31, v16;
	v34 =	vand.u32 $0x7FFFFFFF, v36;
	v28 =	vmovc v9  }
0xc2: {  	s16 =	sadd.s32 $0x80, s16;
	vm2 =	vlt.f32 v31, v27;
	v17 =	vmin.f32 v34, v17;
	v33 =	vand.u32 $0x7FFFFFFF, v37;
	v27 =	vmovc v16  }
0xc3: {  	s24 =	sadd.s32 $0x1, s24;
	vm3 =	vlt.f32 v34, v26;
	v31 =	vld [tilespmem:s16+$0x30];
	v25 =	vmin.f32 v33, v25;
	v34 =	vand.u32 $0x7FFFFFFF, v35;
	v26 =	vmovc v17  }
0xc4: {  	v35 =	vld [tilespmem:s16+$0xFFFFFFC0];
	vm4 =	vlt.f32 v33, v10  }
0xc5: {  	v23 =	vmin.f32 v34, v23;
	v10 =	vand.u32 $0x7FFFFFFF, v32;
	v60 =	vld [tilespmem:s16+$0xFFFFFFD0];
	vm5 =	vlt.f32 v34, v30  }
0xc6: {  	v30 =	vsel vm0, s15, v11;
	v12 =	vsel vm1, s15, v12;
	v61 =	vsel vm2, s15, v19;
	v11 =	vld [tilespmem:s16+$0xFFFFFFF0]  }
0xc7: {  	v13 =	vsel vm3, s15, v13;
	vm6 =	vlt.f32 v10, v18;
	v18 =	vmin.f32 v10, v18;
	v10 =	vld [tilespmem:s16+$0xFFFFFFE0]  }
0xc8: {  	v8 =	vmin.f32 v21, v8;
	v37 =	vld [tilespmem:s16+$0x20];
	v62 =	vsel vm4, s15, v14;
	v36 =	vsel vm5, s15, v20  }
0xc9: {  	v14 =	vld [tilespmem:s16+$0x0];
	v24 =	vsel vm6, s15, v24;
	v31 =	vand.u32 $0x7FFFFFFF, v31;
	v20 =	vand.u32 $0x7FFFFFFF, v35  }
0xca: {  	v63 =	vld [tilespmem:s16+$0x10];
	s24 =	sadd.s32 s22, s29;
	vm8 =	vlt.f32 v31, v8;
	v32 =	vand.u32 $0x7FFFFFFF, v60;
	v8 =	vmin.f32 v31, v8  }
0xcb: {  	v21 =	vmin.f32 v20, v22;
	v19 =	vsel vm8, s24, v15;
	vm9 =	vlt.f32 v20, v29  }
0xcc: {  	v10 =	vand.u32 $0x7FFFFFFF, v10;
	v22 =	vmin.f32 v32, v9;
	vm10 =	vlt.f32 v32, v28  }
0xcd: {  	v9 =	vand.u32 $0x7FFFFFFF, v11;
	v11 =	vand.u32 $0x7FFFFFFF, v37;
	v28 =	vmin.f32 v10, v16  }
0xce: {  	vm11 =	vlt.f32 v10, v27;
	v10 =	vand.u32 $0x7FFFFFFF, v14;
	v20 =	vmin.f32 v9, v17  }
.Ltmp6:
0xcf: {  	vm12 =	vlt.f32 v9, v26;
	v9 =	vand.u32 $0x7FFFFFFF, v63;
	vm15 =	vlt.f32 v11, v18;
	(pc) =	sbr.rel @p0 .LBB2_12-.Ltmp6, $4  }
0xd0: {  	v11 =	vmin.f32 v11, v18;
	v18 =	vsel vm9, s24, v30;
	v17 =	vsel vm10, s24, v12  }
0xd1: {  	v14 =	vmin.f32 v10, v25;
	vm13 =	vlt.f32 v10, v25;
	v10 =	vmin.f32 v9, v23  }
0xd2: {  	vm14 =	vlt.f32 v9, v23;
	v16 =	vsel vm11, s24, v61;
	v15 =	vsel vm12, s24, v13  }
0xd3: {  	v9 =	vsel vm15, s24, v24;
	v13 =	vsel vm13, s24, v62;
	v12 =	vsel vm14, s24, v36  }
.Ltmp7:
0xd4: {  	(pc) =	sbr.rel .LBB2_2-.Ltmp7, $4  }
0xd5: {  	s0 =	sadd.s32 s0, s11;
	s1 =	sadd.s32 $0x1, s1  }
0xd6: {  	s31 =	sadd.s32 $0x100, s31;
	s30 =	sadd.s32 $0x100, s30;
	s0 =	sshrl.u32 s0, $0x3  }
0xd7: {  	s28 =	sadd.s32 $0x100, s28;
	s29 =	sadd.s32 $0x100, s29;
	s0 =	sadd.s32 s2, s0  }
0xd8: {  	[tilespmem:s17], [sflag:$0x4] =	stream.linear.gather [hbm4b:s0+s3], $0x2000, $0x38;
	[tilespmem:$0x8100] =	vst v63  }
.LBB2_13:
0xd9: {  	_ =	sfence.sel $0x180000  }
0xda: {  	[bflag:$0x0] =	sbarrier.arrive $0xFFFF  }
0xdb: {  	_ =	strace $0x90000047  }
0xdc: {  	s0 =	stileid.u32;
	[bflag:$0x2] =	sbarrier.arrive $0xFFFF  }
0xdd: {  	p0 =	sne.s32 s0, $0x0;
	s0 =	rddreg [dreg:$0x2]  }
0xde: {  	s0 =	sadd.s32 @!p0 $0x100000, s0  }
0xdf: {  	[sflag:s0] =	ssyncadd.tile.s32 @!p0 $0x1;
	_ =	shalt  }
.Lfunc_end2:
_tile_overlayer_lowered:
.L_overlay_start_2:
0xe0: {  	(tag) =	ssettag $0x2  }
0xe1: {  	s0 =	rddreg [dreg:$0x0];
	s2 =	stileid.u32  }
0xe2: {  	s1 =	rddreg [dreg:$0x1];
	p0 =	sne.s32 s2, $0x0  }
0xe3: {  	s3 =	rddreg [dreg:$0x2];
	[bflag:$0x3] =	sbarrier.arrive $0xFFFF;
	s2 =	simm.s32 @!p0 $0x1C05  }
0xe4: {  	[timem:s3], [sflag:s2] =	dma.local @!p0 [hbm:s0], s1  }
0xe5: {  	s0 =	simm.s32 @!p0 $0x5  }
0xe6: {  	_ =	swait.ge @!p0 [sflag:s0], s1  }
0xe7: {  	s1 =	ssub.s32 @!p0 $0x0, s1;
	[sflag:s0] =	ssyncset.done @!p0 $0x0  }
0xe8: {  	[sflag:s0] =	ssyncadd.s32 @!p0 s1  }
0xe9: {  	[bflag:$0x3] =	sbarrier.arrive $0xFFFF  }
0xea: {  	_ =	shalt  }

</sc_bundles>
